<compile_context>
chip_gen: v7x
topology: tpu7x:2x2x1
jax: 0.10.2.dev20260603
libtpu: 0.0.44.dev20260713+nightly
codegen_flags: <defaults>
</compile_context>

<pallas_src>
import jax
import jax.numpy as jnp
import numpy as np
from jax import lax
from jax.experimental import pallas as pl
from jax.experimental.pallas import tpu as pltpu
from jax.experimental.pallas import tpu_sc as plsc

B, L, F = 16, 4096, 16
NC, NS = 2, 16
NW = NC * NS
SCK = 2
NVR = L // 16

_MAGIC = np.float32(12582912.0)
_INV_PI = np.float32(0.3183098861837907)
_C1 = np.float32(3.141584873)
_C3 = np.float32(-5.167248249)
_C5 = np.float32(2.542875767)
_C7 = np.float32(-0.5571599603)


def _sin_pi(a):
    y = a + _MAGIC
    ib = lax.bitcast_convert_type(y, jnp.int32)
    sgn = (ib & 1) << 31
    nf = y - _MAGIC
    r = a - nf
    u = r * r
    p = ((_C7 * u + _C5) * u + _C3) * u + _C1
    sv = r * p
    return lax.bitcast_convert_type(
        lax.bitcast_convert_type(sv, jnp.int32) ^ sgn, jnp.float32)


def _tanh_exp(x):
    e = jnp.exp(x + x)
    return 1.0 - 2.0 / (e + 1.0)


def _lanesum(v, lane):
    for sh in (1, 2, 4, 8):
        v = v + v[lane ^ sh]
    return v


def _sc_body(ts_hbm, om_hbm, ph_hbm, part_hbm,
             ts_v, w_v, om16_v, ph16_v, pub_v, sem):
    c = lax.axis_index("c")
    s = lax.axis_index("s")
    lane = lax.iota(jnp.int32, 16)

    cp1 = pltpu.async_copy(ts_hbm.at[c], ts_v, sem)
    cp2 = pltpu.async_copy(om_hbm, om16_v, sem)
    cp3 = pltpu.async_copy(ph_hbm, ph16_v, sem)
    cp1.wait()

    zeros = jnp.zeros((16,), jnp.float32)

    @plsc.parallel_loop(0, NVR, 1, unroll=8, carry=zeros)
    def pass_a(i, d_acc):
        v = ts_v[pl.ds(i * 16, 16)]
        mf = jnp.where(v != 0.0, 1.0, 0.0)
        w = jnp.exp(v) * mf
        w_v[pl.ds(i * 16, 16)] = w
        return d_acc + w

    d_acc = pass_a
    cp2.wait()
    cp3.wait()

    o_raw = om16_v[...]
    p_raw = ph16_v[...]
    o_pi = o_raw * _INV_PI
    p_pi = p_raw * _INV_PI
    kidx = jnp.full((16,), s, jnp.int32)
    ok_raw = o_raw[kidx]
    pk_raw = p_raw[kidx]
    ok_pi = o_pi[kidx]
    pk_pi = p_pi[kidx]
    is_lin = s == 0

    @plsc.parallel_loop(0, NVR, 1, unroll=8, carry=zeros)
    def pass_b(i, n_acc):
        v = ts_v[pl.ds(i * 16, 16)]
        w = w_v[pl.ds(i * 16, 16)]
        f = jnp.where(is_lin, ok_raw * v + pk_raw,
                      _sin_pi(ok_pi * v + pk_pi))
        return n_acc + w * f

    n_s = _lanesum(pass_b, lane)
    d_s = _lanesum(d_acc, lane)
    val = _tanh_exp(n_s / (d_s + 1e-8))
    pub_v[0] = jnp.where(lane == s, val, 0.0)
    pltpu.sync_copy(pub_v, part_hbm.at[NS * c + s])


def _tc_body(om_ref, ph_ref, ts_ref, out_ref):
    t = ts_ref[...][SCK:, :]
    mf = jnp.where(t != 0.0, 1.0, 0.0)
    w = jnp.exp(t) * mf
    d = jnp.sum(w, axis=1, keepdims=True)
    cols = [jnp.sum(w * (om_ref[0] * t + ph_ref[0]), axis=1, keepdims=True)]
    for k in range(1, F):
        ok = om_ref[k] * _INV_PI
        pk = ph_ref[k] * _INV_PI
        cols.append(
            jnp.sum(w * _sin_pi(ok * t + pk), axis=1, keepdims=True))
    n = jnp.concatenate(cols, axis=1)
    out = jnp.tanh(n / (d + 1e-8))
    out_ref[...] = jnp.concatenate(
        [jnp.zeros((SCK, F), jnp.float32), out], axis=0)


@jax.jit
def kernel(timestamps, omega, phi):
    out_tc = pl.pallas_call(
        _tc_body,
        out_shape=jax.ShapeDtypeStruct((B, F), jnp.float32),
        in_specs=[
            pl.BlockSpec(memory_space=pltpu.SMEM),
            pl.BlockSpec(memory_space=pltpu.SMEM),
            pl.BlockSpec((B, L), lambda: (0, 0)),
        ],
        out_specs=pl.BlockSpec((B, F), lambda: (0, 0)),
    )(omega, phi, timestamps)

    mesh = plsc.VectorSubcoreMesh(core_axis_name="c", subcore_axis_name="s")
    sc_run = pl.kernel(
        _sc_body,
        mesh=mesh,
        out_type=jax.ShapeDtypeStruct((NW, 1, 16), jnp.float32),
        scratch_types=[
            pltpu.VMEM((L,), jnp.float32),
            pltpu.VMEM((L,), jnp.float32),
            pltpu.VMEM((F,), jnp.float32),
            pltpu.VMEM((F,), jnp.float32),
            pltpu.VMEM((1, 16), jnp.float32),
            pltpu.SemaphoreType.DMA,
        ],
    )
    part = sc_run(timestamps, omega, phi)
    out_sc = jnp.sum(part.reshape(SCK, NS, F), axis=1)

    return lax.dynamic_update_slice(out_tc, out_sc, (0, 0))

# --- scband reference (transcript-rebuilt; emitter-appended) ---
"""Pipeline reference for scband-temporal-feature-encoder-66005057405254 (READ-ONLY COPY).

The authoritative reference and input builder live on the scoring server;
editing this copy changes nothing except your own understanding.
"""

import jax, jax.numpy as jnp
import numpy as np

B, L, F = 16, 4096, 16

def setup_inputs(seed: int = 0) -> dict:
    key = jax.random.key(seed)
    k1, k2, k3 = jax.random.split(key, 3)
    # Padded ragged timestamps: uniform in (0,1); padding value would be 0.0 (mask = t != 0).
    timestamps = jax.random.uniform(k1, (B, L), dtype=jnp.float32)
    omega = jax.random.normal(k2, (F,), dtype=jnp.float32)
    phi = jax.random.normal(k3, (F,), dtype=jnp.float32)
    return {"timestamps": timestamps, "omega": omega, "phi": phi}

def reference(timestamps, omega, phi):
    # timestamps: [B, L] float32 padded with 0.0
    mask = (timestamps != 0.0)
    maskf = mask.astype(jnp.float32)
    t = timestamps[..., None]                      # [B, L, 1]
    linear_term = omega[0] * t + phi[0]            # [B, L, 1]
    sin_terms = jnp.sin(omega[1:] * t + phi[1:])   # [B, L, F-1]
    temporal_features = jnp.concatenate([linear_term, sin_terms], axis=-1)  # [B, L, F]
    lengths = mask.sum(axis=1)                     # [B]
    indices = (lengths - 1)[:, None]               # [B, 1]
    last_timestamps = jnp.take_along_axis(timestamps, indices, axis=1).squeeze(1)  # [B]
    deltas = last_timestamps[:, None] - timestamps # [B, L]
    deltas = deltas * maskf
    weights = jnp.exp(-deltas) * maskf
    weights_sum = weights.sum(axis=1, keepdims=True) + 1e-08
    weights = weights / weights_sum
    weighted_features = temporal_features * weights[..., None]
    phi_uv = weighted_features.sum(axis=1)         # [B, F]
    return jnp.tanh(phi_uv)

if __name__ == "__main__":
    import jax
    _d = setup_inputs()
    print(jax.jit(kernel)(*tuple(_d.values())))

</pallas_src>

<mosaic_0001>
#map = affine_map<(d0, d1) -> (0, 0)>
#map1 = affine_map<(d0, d1) -> (0)>
#map2 = affine_map<(d0, d1) -> (0, 0, 0)>
module attributes {stable_mosaic.version = 14 : i64} {
  func.func @_sc_body(%arg0: i32, %arg1: i32, %arg2: memref<16x4096xf32, #tpu.memory_space<hbm>>, %arg3: memref<16xf32, #tpu.memory_space<hbm>>, %arg4: memref<16xf32, #tpu.memory_space<hbm>>, %arg5: memref<32x1x16xf32, #tpu.memory_space<hbm>>, %arg6: memref<4096xf32, #tpu.memory_space<vmem>>, %arg7: memref<4096xf32, #tpu.memory_space<vmem>>, %arg8: memref<16xf32, #tpu.memory_space<vmem>>, %arg9: memref<16xf32, #tpu.memory_space<vmem>>, %arg10: memref<1x16xf32, #tpu.memory_space<vmem>>, %arg11: memref<!tpu.dma_semaphore, #tpu.memory_space<semaphore_mem>>) attributes {dimension_semantics = [#tpu.dimension_semantics<core_parallel>, #tpu.dimension_semantics<subcore_parallel>], iteration_bounds = array<i64: 2, 16>, scalar_prefetch = 0 : i64, scratch_operands = 6 : i64, tpu.core_type = #tpu.core_type<sc_vector_subcore>, window_params = [{transform_indices = #map}, {transform_indices = #map1}, {transform_indices = #map1}, {transform_indices = #map2}]} {
    %iota3A = tpu.iota {dimensions = array<i32: 0>} : vector<16xi32>
    %dma_start3A = arith.constant 0 : i32
    %dma_start3A_0 = tpu.memref_slice %arg2[%arg0, %dma_start3A] : memref<16x4096xf32, #tpu.memory_space<hbm>> -> memref<1x4096xf32, #tpu.memory_space<hbm>>
    %dma_start3A_1 = tpu.memref_squeeze %dma_start3A_0 : memref<1x4096xf32, #tpu.memory_space<hbm>> -> memref<4096xf32, #tpu.memory_space<hbm>>
    %dma_start3A_2 = arith.constant 0 : i32
    %dma_start3A_3 = tpu.memref_slice %arg2[%arg0, %dma_start3A_2] : memref<16x4096xf32, #tpu.memory_space<hbm>> -> memref<1x4096xf32, #tpu.memory_space<hbm>>
    %dma_start3A_4 = tpu.memref_squeeze %dma_start3A_3 : memref<1x4096xf32, #tpu.memory_space<hbm>> -> memref<4096xf32, #tpu.memory_space<hbm>>
    tpu.enqueue_dma source(%dma_start3A_4 : memref<4096xf32, #tpu.memory_space<hbm>>) target(%arg6 : memref<4096xf32, #tpu.memory_space<vmem>>) target_semaphore(%arg11 : memref<!tpu.dma_semaphore, #tpu.memory_space<semaphore_mem>>)
    tpu.enqueue_dma source(%arg3 : memref<16xf32, #tpu.memory_space<hbm>>) target(%arg8 : memref<16xf32, #tpu.memory_space<vmem>>) target_semaphore(%arg11 : memref<!tpu.dma_semaphore, #tpu.memory_space<semaphore_mem>>)
    tpu.enqueue_dma source(%arg4 : memref<16xf32, #tpu.memory_space<hbm>>) target(%arg9 : memref<16xf32, #tpu.memory_space<vmem>>) target_semaphore(%arg11 : memref<!tpu.dma_semaphore, #tpu.memory_space<semaphore_mem>>)
    %dma_wait3A = arith.constant 0 : i32
    %dma_wait3A_5 = tpu.memref_slice %arg2[%arg0, %dma_wait3A] : memref<16x4096xf32, #tpu.memory_space<hbm>> -> memref<1x4096xf32, #tpu.memory_space<hbm>>
    %dma_wait3A_6 = tpu.memref_squeeze %dma_wait3A_5 : memref<1x4096xf32, #tpu.memory_space<hbm>> -> memref<4096xf32, #tpu.memory_space<hbm>>
    %dma_wait3A_7 = arith.constant 0 : i32
    %dma_wait3A_8 = tpu.memref_slice %arg2[%arg0, %dma_wait3A_7] : memref<16x4096xf32, #tpu.memory_space<hbm>> -> memref<1x4096xf32, #tpu.memory_space<hbm>>
    %dma_wait3A_9 = tpu.memref_squeeze %dma_wait3A_8 : memref<1x4096xf32, #tpu.memory_space<hbm>> -> memref<4096xf32, #tpu.memory_space<hbm>>
    tpu.wait_dma2 semaphore(%arg11 : memref<!tpu.dma_semaphore, #tpu.memory_space<semaphore_mem>>) src(%dma_wait3A_9 : memref<4096xf32, #tpu.memory_space<hbm>>) dst(%arg6 : memref<4096xf32, #tpu.memory_space<vmem>>)
    %broadcast_in_dim3A = arith.constant 0.000000e+00 : f32
    %broadcast_in_dim3A_10 = vector.broadcast %broadcast_in_dim3A : f32 to vector<16xf32>
    %parallel_loop3A = arith.constant 0 : i32
    %parallel_loop3A_11 = arith.constant 256 : i32
    %parallel_loop3A_12 = arith.constant 1 : i32
    %parallel_loop3A_13 = scf.for %parallel_loop3A_201 = %parallel_loop3A to %parallel_loop3A_11 step %parallel_loop3A_12 iter_args(%parallel_loop3A_202 = %broadcast_in_dim3A_10) -> (vector<16xf32>)  : i32 {
      %parallel_loop3A_203 = arith.constant 16 : i32
      %parallel_loop3A_204 = arith.muli %parallel_loop3A_201, %parallel_loop3A_203 : i32
      %parallel_loop3A_205 = arith.index_cast %parallel_loop3A_204 : i32 to index
      %parallel_loop3A_206 = tpu.vector_load %arg6[%parallel_loop3A_205] {strides = array<i32>} : memref<4096xf32, #tpu.memory_space<vmem>>, vector<16xf32>,
      %parallel_loop3A_207 = vector.shape_cast %parallel_loop3A_206 : vector<16xf32> to vector<16xf32>
      %parallel_loop3A_208 = arith.constant 0.000000e+00 : f32
      %parallel_loop3A_209 = vector.broadcast %parallel_loop3A_208 : f32 to vector<16xf32>
      %parallel_loop3A_210 = arith.cmpf one, %parallel_loop3A_207, %parallel_loop3A_209 : vector<16xf32>
      %parallel_loop3A_211 = arith.constant 1.000000e+00 : f32
      %parallel_loop3A_212 = arith.constant 0.000000e+00 : f32
      %parallel_loop3A_213 = vector.broadcast %parallel_loop3A_211 : f32 to vector<16xf32>
      %parallel_loop3A_214 = vector.broadcast %parallel_loop3A_212 : f32 to vector<16xf32>
      %parallel_loop3A_215 = arith.select %parallel_loop3A_210, %parallel_loop3A_213, %parallel_loop3A_214 : vector<16xi1>, vector<16xf32>
      %parallel_loop3A_216 = math.exp %parallel_loop3A_207 : vector<16xf32>
      %parallel_loop3A_217 = arith.mulf %parallel_loop3A_216, %parallel_loop3A_215 : vector<16xf32>
      %parallel_loop3A_218 = arith.constant 16 : i32
      %parallel_loop3A_219 = arith.muli %parallel_loop3A_201, %parallel_loop3A_218 : i32
      %parallel_loop3A_220 = arith.index_cast %parallel_loop3A_219 : i32 to index
      %parallel_loop3A_221 = tpu.vector_load %arg7[%parallel_loop3A_220] {strides = array<i32>} : memref<4096xf32, #tpu.memory_space<vmem>>, vector<16xf32>,
      %parallel_loop3A_222 = vector.shape_cast %parallel_loop3A_221 : vector<16xf32> to vector<16xf32>
      %parallel_loop3A_223 = vector.shape_cast %parallel_loop3A_217 : vector<16xf32> to vector<16xf32>
      tpu.vector_store %arg7[%parallel_loop3A_220], %parallel_loop3A_223 {strides = array<i32>} : memref<4096xf32, #tpu.memory_space<vmem>>, vector<16xf32>,
      %parallel_loop3A_224 = arith.addf %parallel_loop3A_202, %parallel_loop3A_217 : vector<16xf32>
      scf.yield %parallel_loop3A_224 : vector<16xf32>
    } {sc.loop_unroll_factor = 8 : i64, sc.parallel_access}
    tpu.wait_dma2 semaphore(%arg11 : memref<!tpu.dma_semaphore, #tpu.memory_space<semaphore_mem>>) src(%arg3 : memref<16xf32, #tpu.memory_space<hbm>>) dst(%arg8 : memref<16xf32, #tpu.memory_space<vmem>>)
    tpu.wait_dma2 semaphore(%arg11 : memref<!tpu.dma_semaphore, #tpu.memory_space<semaphore_mem>>) src(%arg4 : memref<16xf32, #tpu.memory_space<hbm>>) dst(%arg9 : memref<16xf32, #tpu.memory_space<vmem>>)
    %get3A = arith.constant 0 : index
    %get3A_14 = tpu.vector_load %arg8[%get3A] {strides = array<i32>} : memref<16xf32, #tpu.memory_space<vmem>>, vector<16xf32>,
    %get3A_15 = vector.shape_cast %get3A_14 : vector<16xf32> to vector<16xf32>
    %get3A_16 = arith.constant 0 : index
    %get3A_17 = tpu.vector_load %arg9[%get3A_16] {strides = array<i32>} : memref<16xf32, #tpu.memory_space<vmem>>, vector<16xf32>,
    %get3A_18 = vector.shape_cast %get3A_17 : vector<16xf32> to vector<16xf32>
    %mul3A = arith.constant 0.318309873 : f32
    %mul3A_19 = vector.broadcast %mul3A : f32 to vector<16xf32>
    %mul3A_20 = arith.mulf %get3A_15, %mul3A_19 : vector<16xf32>
    %mul3A_21 = arith.constant 0.318309873 : f32
    %mul3A_22 = vector.broadcast %mul3A_21 : f32 to vector<16xf32>
    %mul3A_23 = arith.mulf %get3A_18, %mul3A_22 : vector<16xf32>
    %broadcast_in_dim3A_24 = vector.broadcast %arg1 : i32 to vector<16xi32>
    %lt3A = arith.constant 0 : i32
    %lt3A_25 = vector.broadcast %lt3A : i32 to vector<16xi32>
    %lt3A_26 = arith.cmpi slt, %broadcast_in_dim3A_24, %lt3A_25 : vector<16xi32>
    %add3A = arith.constant 16 : i32
    %add3A_27 = vector.broadcast %add3A : i32 to vector<16xi32>
    %add3A_28 = arith.addi %broadcast_in_dim3A_24, %add3A_27 : vector<16xi32>
    %select_n3A = arith.select %lt3A_26, %add3A_28, %broadcast_in_dim3A_24 : vector<16xi1>, vector<16xi32>
    %broadcast_in_dim3A_29 = vector.shape_cast %select_n3A : vector<16xi32> to vector<16x1xi32>
    %gather3A = vector.shape_cast %broadcast_in_dim3A_29 : vector<16x1xi32> to vector<16xi32>
    %gather3A_30 = tpu.dynamic_gather %get3A_15[%gather3A] in [0] : vector<16xf32>, vector<16xi32> -> vector<16xf32>
    %lt3A_31 = arith.constant 0 : i32
    %lt3A_32 = vector.broadcast %lt3A_31 : i32 to vector<16xi32>
    %lt3A_33 = arith.cmpi slt, %broadcast_in_dim3A_24, %lt3A_32 : vector<16xi32>
    %add3A_34 = arith.constant 16 : i32
    %add3A_35 = vector.broadcast %add3A_34 : i32 to vector<16xi32>
    %add3A_36 = arith.addi %broadcast_in_dim3A_24, %add3A_35 : vector<16xi32>
    %select_n3A_37 = arith.select %lt3A_33, %add3A_36, %broadcast_in_dim3A_24 : vector<16xi1>, vector<16xi32>
    %broadcast_in_dim3A_38 = vector.shape_cast %select_n3A_37 : vector<16xi32> to vector<16x1xi32>
    %gather3A_39 = vector.shape_cast %broadcast_in_dim3A_38 : vector<16x1xi32> to vector<16xi32>
    %gather3A_40 = tpu.dynamic_gather %get3A_18[%gather3A_39] in [0] : vector<16xf32>, vector<16xi32> -> vector<16xf32>
    %lt3A_41 = arith.constant 0 : i32
    %lt3A_42 = vector.broadcast %lt3A_41 : i32 to vector<16xi32>
    %lt3A_43 = arith.cmpi slt, %broadcast_in_dim3A_24, %lt3A_42 : vector<16xi32>
    %add3A_44 = arith.constant 16 : i32
    %add3A_45 = vector.broadcast %add3A_44 : i32 to vector<16xi32>
    %add3A_46 = arith.addi %broadcast_in_dim3A_24, %add3A_45 : vector<16xi32>
    %select_n3A_47 = arith.select %lt3A_43, %add3A_46, %broadcast_in_dim3A_24 : vector<16xi1>, vector<16xi32>
    %broadcast_in_dim3A_48 = vector.shape_cast %select_n3A_47 : vector<16xi32> to vector<16x1xi32>
    %gather3A_49 = vector.shape_cast %broadcast_in_dim3A_48 : vector<16x1xi32> to vector<16xi32>
    %gather3A_50 = tpu.dynamic_gather %mul3A_20[%gather3A_49] in [0] : vector<16xf32>, vector<16xi32> -> vector<16xf32>
    %lt3A_51 = arith.constant 0 : i32
    %lt3A_52 = vector.broadcast %lt3A_51 : i32 to vector<16xi32>
    %lt3A_53 = arith.cmpi slt, %broadcast_in_dim3A_24, %lt3A_52 : vector<16xi32>
    %add3A_54 = arith.constant 16 : i32
    %add3A_55 = vector.broadcast %add3A_54 : i32 to vector<16xi32>
    %add3A_56 = arith.addi %broadcast_in_dim3A_24, %add3A_55 : vector<16xi32>
    %select_n3A_57 = arith.select %lt3A_53, %add3A_56, %broadcast_in_dim3A_24 : vector<16xi1>, vector<16xi32>
    %broadcast_in_dim3A_58 = vector.shape_cast %select_n3A_57 : vector<16xi32> to vector<16x1xi32>
    %gather3A_59 = vector.shape_cast %broadcast_in_dim3A_58 : vector<16x1xi32> to vector<16xi32>
    %gather3A_60 = tpu.dynamic_gather %mul3A_23[%gather3A_59] in [0] : vector<16xf32>, vector<16xi32> -> vector<16xf32>
    %eq3A = arith.constant 0 : i32
    %eq3A_61 = arith.cmpi eq, %arg1, %eq3A : i32
    %parallel_loop3A_62 = arith.constant 0 : i32
    %parallel_loop3A_63 = arith.constant 256 : i32
    %parallel_loop3A_64 = arith.constant 1 : i32
    %parallel_loop3A_65 = scf.for %parallel_loop3A_201 = %parallel_loop3A_62 to %parallel_loop3A_63 step %parallel_loop3A_64 iter_args(%parallel_loop3A_202 = %broadcast_in_dim3A_10) -> (vector<16xf32>)  : i32 {
      %parallel_loop3A_203 = arith.constant 16 : i32
      %parallel_loop3A_204 = arith.muli %parallel_loop3A_201, %parallel_loop3A_203 : i32
      %parallel_loop3A_205 = arith.index_cast %parallel_loop3A_204 : i32 to index
      %parallel_loop3A_206 = tpu.vector_load %arg6[%parallel_loop3A_205] {strides = array<i32>} : memref<4096xf32, #tpu.memory_space<vmem>>, vector<16xf32>,
      %parallel_loop3A_207 = vector.shape_cast %parallel_loop3A_206 : vector<16xf32> to vector<16xf32>
      %parallel_loop3A_208 = arith.constant 16 : i32
      %parallel_loop3A_209 = arith.muli %parallel_loop3A_201, %parallel_loop3A_208 : i32
      %parallel_loop3A_210 = arith.index_cast %parallel_loop3A_209 : i32 to index
      %parallel_loop3A_211 = tpu.vector_load %arg7[%parallel_loop3A_210] {strides = array<i32>} : memref<4096xf32, #tpu.memory_space<vmem>>, vector<16xf32>,
      %parallel_loop3A_212 = vector.shape_cast %parallel_loop3A_211 : vector<16xf32> to vector<16xf32>
      %parallel_loop3A_213 = arith.mulf %gather3A_30, %parallel_loop3A_207 : vector<16xf32>
      %parallel_loop3A_214 = arith.addf %parallel_loop3A_213, %gather3A_40 : vector<16xf32>
      %parallel_loop3A_215 = arith.mulf %gather3A_50, %parallel_loop3A_207 : vector<16xf32>
      %parallel_loop3A_216 = arith.addf %parallel_loop3A_215, %gather3A_60 : vector<16xf32>
      %parallel_loop3A_217 = arith.constant 0x4B400000 : f32
      %parallel_loop3A_218 = vector.broadcast %parallel_loop3A_217 : f32 to vector<16xf32>
      %parallel_loop3A_219 = arith.addf %parallel_loop3A_216, %parallel_loop3A_218 : vector<16xf32>
      %parallel_loop3A_220 = tpu.bitcast %parallel_loop3A_219 : vector<16xf32> -> vector<16xi32>
      %parallel_loop3A_221 = arith.constant 1 : i32
      %parallel_loop3A_222 = vector.broadcast %parallel_loop3A_221 : i32 to vector<16xi32>
      %parallel_loop3A_223 = arith.andi %parallel_loop3A_220, %parallel_loop3A_222 : vector<16xi32>
      %parallel_loop3A_224 = arith.constant 31 : i32
      %parallel_loop3A_225 = vector.broadcast %parallel_loop3A_224 : i32 to vector<16xi32>
      %parallel_loop3A_226 = arith.shli %parallel_loop3A_223, %parallel_loop3A_225 : vector<16xi32>
      %parallel_loop3A_227 = arith.constant 0x4B400000 : f32
      %parallel_loop3A_228 = vector.broadcast %parallel_loop3A_227 : f32 to vector<16xf32>
      %parallel_loop3A_229 = arith.subf %parallel_loop3A_219, %parallel_loop3A_228 : vector<16xf32>
      %parallel_loop3A_230 = arith.subf %parallel_loop3A_216, %parallel_loop3A_229 : vector<16xf32>
      %parallel_loop3A_231 = arith.mulf %parallel_loop3A_230, %parallel_loop3A_230 : vector<16xf32>
      %parallel_loop3A_232 = arith.constant -0.55715996 : f32
      %parallel_loop3A_233 = vector.broadcast %parallel_loop3A_232 : f32 to vector<16xf32>
      %parallel_loop3A_234 = arith.mulf %parallel_loop3A_233, %parallel_loop3A_231 : vector<16xf32>
      %parallel_loop3A_235 = arith.constant 2.54287577 : f32
      %parallel_loop3A_236 = vector.broadcast %parallel_loop3A_235 : f32 to vector<16xf32>
      %parallel_loop3A_237 = arith.addf %parallel_loop3A_234, %parallel_loop3A_236 : vector<16xf32>
      %parallel_loop3A_238 = arith.mulf %parallel_loop3A_237, %parallel_loop3A_231 : vector<16xf32>
      %parallel_loop3A_239 = arith.constant -5.16724825 : f32
      %parallel_loop3A_240 = vector.broadcast %parallel_loop3A_239 : f32 to vector<16xf32>
      %parallel_loop3A_241 = arith.addf %parallel_loop3A_238, %parallel_loop3A_240 : vector<16xf32>
      %parallel_loop3A_242 = arith.mulf %parallel_loop3A_241, %parallel_loop3A_231 : vector<16xf32>
      %parallel_loop3A_243 = arith.constant 3.14158487 : f32
      %parallel_loop3A_244 = vector.broadcast %parallel_loop3A_243 : f32 to vector<16xf32>
      %parallel_loop3A_245 = arith.addf %parallel_loop3A_242, %parallel_loop3A_244 : vector<16xf32>
      %parallel_loop3A_246 = arith.mulf %parallel_loop3A_230, %parallel_loop3A_245 : vector<16xf32>
      %parallel_loop3A_247 = tpu.bitcast %parallel_loop3A_246 : vector<16xf32> -> vector<16xi32>
      %parallel_loop3A_248 = arith.xori %parallel_loop3A_247, %parallel_loop3A_226 : vector<16xi32>
      %parallel_loop3A_249 = tpu.bitcast %parallel_loop3A_248 : vector<16xi32> -> vector<16xf32>
      %parallel_loop3A_250 = arith.select %eq3A_61, %parallel_loop3A_214, %parallel_loop3A_249 : vector<16xf32>
      %parallel_loop3A_251 = arith.mulf %parallel_loop3A_212, %parallel_loop3A_250 : vector<16xf32>
      %parallel_loop3A_252 = arith.addf %parallel_loop3A_202, %parallel_loop3A_251 : vector<16xf32>
      scf.yield %parallel_loop3A_252 : vector<16xf32>
    } {sc.loop_unroll_factor = 8 : i64, sc.parallel_access}
    %xor3A = arith.constant 1 : i32
    %xor3A_66 = vector.broadcast %xor3A : i32 to vector<16xi32>
    %xor3A_67 = arith.xori %iota3A, %xor3A_66 : vector<16xi32>
    %lt3A_68 = arith.constant 0 : i32
    %lt3A_69 = vector.broadcast %lt3A_68 : i32 to vector<16xi32>
    %lt3A_70 = arith.cmpi slt, %xor3A_67, %lt3A_69 : vector<16xi32>
    %add3A_71 = arith.constant 16 : i32
    %add3A_72 = vector.broadcast %add3A_71 : i32 to vector<16xi32>
    %add3A_73 = arith.addi %xor3A_67, %add3A_72 : vector<16xi32>
    %select_n3A_74 = arith.select %lt3A_70, %add3A_73, %xor3A_67 : vector<16xi1>, vector<16xi32>
    %broadcast_in_dim3A_75 = vector.shape_cast %select_n3A_74 : vector<16xi32> to vector<16x1xi32>
    %gather3A_76 = vector.shape_cast %broadcast_in_dim3A_75 : vector<16x1xi32> to vector<16xi32>
    %gather3A_77 = tpu.dynamic_gather %parallel_loop3A_65[%gather3A_76] in [0] : vector<16xf32>, vector<16xi32> -> vector<16xf32>
    %add3A_78 = arith.addf %parallel_loop3A_65, %gather3A_77 : vector<16xf32>
    %xor3A_79 = arith.constant 2 : i32
    %xor3A_80 = vector.broadcast %xor3A_79 : i32 to vector<16xi32>
    %xor3A_81 = arith.xori %iota3A, %xor3A_80 : vector<16xi32>
    %lt3A_82 = arith.constant 0 : i32
    %lt3A_83 = vector.broadcast %lt3A_82 : i32 to vector<16xi32>
    %lt3A_84 = arith.cmpi slt, %xor3A_81, %lt3A_83 : vector<16xi32>
    %add3A_85 = arith.constant 16 : i32
    %add3A_86 = vector.broadcast %add3A_85 : i32 to vector<16xi32>
    %add3A_87 = arith.addi %xor3A_81, %add3A_86 : vector<16xi32>
    %select_n3A_88 = arith.select %lt3A_84, %add3A_87, %xor3A_81 : vector<16xi1>, vector<16xi32>
    %broadcast_in_dim3A_89 = vector.shape_cast %select_n3A_88 : vector<16xi32> to vector<16x1xi32>
    %gather3A_90 = vector.shape_cast %broadcast_in_dim3A_89 : vector<16x1xi32> to vector<16xi32>
    %gather3A_91 = tpu.dynamic_gather %add3A_78[%gather3A_90] in [0] : vector<16xf32>, vector<16xi32> -> vector<16xf32>
    %add3A_92 = arith.addf %add3A_78, %gather3A_91 : vector<16xf32>
    %xor3A_93 = arith.constant 4 : i32
    %xor3A_94 = vector.broadcast %xor3A_93 : i32 to vector<16xi32>
    %xor3A_95 = arith.xori %iota3A, %xor3A_94 : vector<16xi32>
    %lt3A_96 = arith.constant 0 : i32
    %lt3A_97 = vector.broadcast %lt3A_96 : i32 to vector<16xi32>
    %lt3A_98 = arith.cmpi slt, %xor3A_95, %lt3A_97 : vector<16xi32>
    %add3A_99 = arith.constant 16 : i32
    %add3A_100 = vector.broadcast %add3A_99 : i32 to vector<16xi32>
    %add3A_101 = arith.addi %xor3A_95, %add3A_100 : vector<16xi32>
    %select_n3A_102 = arith.select %lt3A_98, %add3A_101, %xor3A_95 : vector<16xi1>, vector<16xi32>
    %broadcast_in_dim3A_103 = vector.shape_cast %select_n3A_102 : vector<16xi32> to vector<16x1xi32>
    %gather3A_104 = vector.shape_cast %broadcast_in_dim3A_103 : vector<16x1xi32> to vector<16xi32>
    %gather3A_105 = tpu.dynamic_gather %add3A_92[%gather3A_104] in [0] : vector<16xf32>, vector<16xi32> -> vector<16xf32>
    %add3A_106 = arith.addf %add3A_92, %gather3A_105 : vector<16xf32>
    %xor3A_107 = arith.constant 8 : i32
    %xor3A_108 = vector.broadcast %xor3A_107 : i32 to vector<16xi32>
    %xor3A_109 = arith.xori %iota3A, %xor3A_108 : vector<16xi32>
    %lt3A_110 = arith.constant 0 : i32
    %lt3A_111 = vector.broadcast %lt3A_110 : i32 to vector<16xi32>
    %lt3A_112 = arith.cmpi slt, %xor3A_109, %lt3A_111 : vector<16xi32>
    %add3A_113 = arith.constant 16 : i32
    %add3A_114 = vector.broadcast %add3A_113 : i32 to vector<16xi32>
    %add3A_115 = arith.addi %xor3A_109, %add3A_114 : vector<16xi32>
    %select_n3A_116 = arith.select %lt3A_112, %add3A_115, %xor3A_109 : vector<16xi1>, vector<16xi32>
    %broadcast_in_dim3A_117 = vector.shape_cast %select_n3A_116 : vector<16xi32> to vector<16x1xi32>
    %gather3A_118 = vector.shape_cast %broadcast_in_dim3A_117 : vector<16x1xi32> to vector<16xi32>
    %gather3A_119 = tpu.dynamic_gather %add3A_106[%gather3A_118] in [0] : vector<16xf32>, vector<16xi32> -> vector<16xf32>
    %add3A_120 = arith.addf %add3A_106, %gather3A_119 : vector<16xf32>
    %xor3A_121 = arith.constant 1 : i32
    %xor3A_122 = vector.broadcast %xor3A_121 : i32 to vector<16xi32>
    %xor3A_123 = arith.xori %iota3A, %xor3A_122 : vector<16xi32>
    %lt3A_124 = arith.constant 0 : i32
    %lt3A_125 = vector.broadcast %lt3A_124 : i32 to vector<16xi32>
    %lt3A_126 = arith.cmpi slt, %xor3A_123, %lt3A_125 : vector<16xi32>
    %add3A_127 = arith.constant 16 : i32
    %add3A_128 = vector.broadcast %add3A_127 : i32 to vector<16xi32>
    %add3A_129 = arith.addi %xor3A_123, %add3A_128 : vector<16xi32>
    %select_n3A_130 = arith.select %lt3A_126, %add3A_129, %xor3A_123 : vector<16xi1>, vector<16xi32>
    %broadcast_in_dim3A_131 = vector.shape_cast %select_n3A_130 : vector<16xi32> to vector<16x1xi32>
    %gather3A_132 = vector.shape_cast %broadcast_in_dim3A_131 : vector<16x1xi32> to vector<16xi32>
    %gather3A_133 = tpu.dynamic_gather %parallel_loop3A_13[%gather3A_132] in [0] : vector<16xf32>, vector<16xi32> -> vector<16xf32>
    %add3A_134 = arith.addf %parallel_loop3A_13, %gather3A_133 : vector<16xf32>
    %xor3A_135 = arith.constant 2 : i32
    %xor3A_136 = vector.broadcast %xor3A_135 : i32 to vector<16xi32>
    %xor3A_137 = arith.xori %iota3A, %xor3A_136 : vector<16xi32>
    %lt3A_138 = arith.constant 0 : i32
    %lt3A_139 = vector.broadcast %lt3A_138 : i32 to vector<16xi32>
    %lt3A_140 = arith.cmpi slt, %xor3A_137, %lt3A_139 : vector<16xi32>
    %add3A_141 = arith.constant 16 : i32
    %add3A_142 = vector.broadcast %add3A_141 : i32 to vector<16xi32>
    %add3A_143 = arith.addi %xor3A_137, %add3A_142 : vector<16xi32>
    %select_n3A_144 = arith.select %lt3A_140, %add3A_143, %xor3A_137 : vector<16xi1>, vector<16xi32>
    %broadcast_in_dim3A_145 = vector.shape_cast %select_n3A_144 : vector<16xi32> to vector<16x1xi32>
    %gather3A_146 = vector.shape_cast %broadcast_in_dim3A_145 : vector<16x1xi32> to vector<16xi32>
    %gather3A_147 = tpu.dynamic_gather %add3A_134[%gather3A_146] in [0] : vector<16xf32>, vector<16xi32> -> vector<16xf32>
    %add3A_148 = arith.addf %add3A_134, %gather3A_147 : vector<16xf32>
    %xor3A_149 = arith.constant 4 : i32
    %xor3A_150 = vector.broadcast %xor3A_149 : i32 to vector<16xi32>
    %xor3A_151 = arith.xori %iota3A, %xor3A_150 : vector<16xi32>
    %lt3A_152 = arith.constant 0 : i32
    %lt3A_153 = vector.broadcast %lt3A_152 : i32 to vector<16xi32>
    %lt3A_154 = arith.cmpi slt, %xor3A_151, %lt3A_153 : vector<16xi32>
    %add3A_155 = arith.constant 16 : i32
    %add3A_156 = vector.broadcast %add3A_155 : i32 to vector<16xi32>
    %add3A_157 = arith.addi %xor3A_151, %add3A_156 : vector<16xi32>
    %select_n3A_158 = arith.select %lt3A_154, %add3A_157, %xor3A_151 : vector<16xi1>, vector<16xi32>
    %broadcast_in_dim3A_159 = vector.shape_cast %select_n3A_158 : vector<16xi32> to vector<16x1xi32>
    %gather3A_160 = vector.shape_cast %broadcast_in_dim3A_159 : vector<16x1xi32> to vector<16xi32>
    %gather3A_161 = tpu.dynamic_gather %add3A_148[%gather3A_160] in [0] : vector<16xf32>, vector<16xi32> -> vector<16xf32>
    %add3A_162 = arith.addf %add3A_148, %gather3A_161 : vector<16xf32>
    %xor3A_163 = arith.constant 8 : i32
    %xor3A_164 = vector.broadcast %xor3A_163 : i32 to vector<16xi32>
    %xor3A_165 = arith.xori %iota3A, %xor3A_164 : vector<16xi32>
    %lt3A_166 = arith.constant 0 : i32
    %lt3A_167 = vector.broadcast %lt3A_166 : i32 to vector<16xi32>
    %lt3A_168 = arith.cmpi slt, %xor3A_165, %lt3A_167 : vector<16xi32>
    %add3A_169 = arith.constant 16 : i32
    %add3A_170 = vector.broadcast %add3A_169 : i32 to vector<16xi32>
    %add3A_171 = arith.addi %xor3A_165, %add3A_170 : vector<16xi32>
    %select_n3A_172 = arith.select %lt3A_168, %add3A_171, %xor3A_165 : vector<16xi1>, vector<16xi32>
    %broadcast_in_dim3A_173 = vector.shape_cast %select_n3A_172 : vector<16xi32> to vector<16x1xi32>
    %gather3A_174 = vector.shape_cast %broadcast_in_dim3A_173 : vector<16x1xi32> to vector<16xi32>
    %gather3A_175 = tpu.dynamic_gather %add3A_162[%gather3A_174] in [0] : vector<16xf32>, vector<16xi32> -> vector<16xf32>
    %add3A_176 = arith.addf %add3A_162, %gather3A_175 : vector<16xf32>
    %add3A_177 = arith.constant 9.99999993E-9 : f32
    %add3A_178 = vector.broadcast %add3A_177 : f32 to vector<16xf32>
    %add3A_179 = arith.addf %add3A_176, %add3A_178 : vector<16xf32>
    %div3A = arith.divf %add3A_120, %add3A_179 : vector<16xf32>
    %add3A_180 = arith.addf %div3A, %div3A : vector<16xf32>
    %exp3A = math.exp %add3A_180 : vector<16xf32>
    %add3A_181 = arith.constant 1.000000e+00 : f32
    %add3A_182 = vector.broadcast %add3A_181 : f32 to vector<16xf32>
    %add3A_183 = arith.addf %exp3A, %add3A_182 : vector<16xf32>
    %div3A_184 = arith.constant 2.000000e+00 : f32
    %div3A_185 = vector.broadcast %div3A_184 : f32 to vector<16xf32>
    %div3A_186 = arith.divf %div3A_185, %add3A_183 : vector<16xf32>
    %sub3A = arith.constant 1.000000e+00 : f32
    %sub3A_187 = vector.broadcast %sub3A : f32 to vector<16xf32>
    %sub3A_188 = arith.subf %sub3A_187, %div3A_186 : vector<16xf32>
    %eq3A_189 = vector.broadcast %arg1 : i32 to vector<16xi32>
    %eq3A_190 = arith.cmpi eq, %iota3A, %eq3A_189 : vector<16xi32>
    %jit3A = arith.constant 0.000000e+00 : f32
    %broadcast_in_dim3A_191 = vector.broadcast %jit3A : f32 to vector<16xf32>
    %select_n3A_192 = arith.select %eq3A_190, %sub3A_188, %broadcast_in_dim3A_191 : vector<16xi1>, vector<16xf32>
    %swap3A = arith.constant 0 : i32
    %swap3A_193 = arith.index_cast %swap3A : i32 to index
    %swap3A_194 = arith.constant 0 : index
    %swap3A_195 = tpu.vector_load %arg10[%swap3A_193, %swap3A_194] {strides = array<i32>} : memref<1x16xf32, #tpu.memory_space<vmem>>, vector<1x16xf32>,
    %swap3A_196 = vector.shape_cast %swap3A_195 : vector<1x16xf32> to vector<16xf32>
    %swap3A_197 = vector.shape_cast %select_n3A_192 : vector<16xf32> to vector<1x16xf32>
    tpu.vector_store %arg10[%swap3A_193, %swap3A_194], %swap3A_197 {strides = array<i32>} : memref<1x16xf32, #tpu.memory_space<vmem>>, vector<1x16xf32>,
    %mul3A_198 = arith.constant 16 : i32
    %mul3A_199 = arith.muli %mul3A_198, %arg0 : i32
    %add3A_200 = arith.addi %mul3A_199, %arg1 : i32
    "tpu.region"() ({
      %run_scoped3A = tpu.sem_alloc : memref<!tpu.dma_semaphore, #tpu.memory_space<semaphore_mem>>
      %dma_start3A_201 = arith.constant 0 : i32
      %dma_start3A_202 = arith.constant 0 : i32
      %dma_start3A_203 = tpu.memref_slice %arg5[%add3A_200, %dma_start3A_201, %dma_start3A_202] : memref<32x1x16xf32, #tpu.memory_space<hbm>> -> memref<1x1x16xf32, #tpu.memory_space<hbm>>
      %dma_start3A_204 = tpu.memref_squeeze %dma_start3A_203 : memref<1x1x16xf32, #tpu.memory_space<hbm>> -> memref<1x16xf32, #tpu.memory_space<hbm>>
      %dma_start3A_205 = arith.constant 0 : i32
      %dma_start3A_206 = arith.constant 0 : i32
      %dma_start3A_207 = tpu.memref_slice %arg5[%add3A_200, %dma_start3A_205, %dma_start3A_206] : memref<32x1x16xf32, #tpu.memory_space<hbm>> -> memref<1x1x16xf32, #tpu.memory_space<hbm>>
      %dma_start3A_208 = tpu.memref_squeeze %dma_start3A_207 : memref<1x1x16xf32, #tpu.memory_space<hbm>> -> memref<1x16xf32, #tpu.memory_space<hbm>>
      tpu.enqueue_dma source(%arg10 : memref<1x16xf32, #tpu.memory_space<vmem>>) target(%dma_start3A_208 : memref<1x16xf32, #tpu.memory_space<hbm>>) target_semaphore(%run_scoped3A : memref<!tpu.dma_semaphore, #tpu.memory_space<semaphore_mem>>)
      %dma_wait3A_209 = arith.constant 0 : i32
      %dma_wait3A_210 = arith.constant 0 : i32
      %dma_wait3A_211 = tpu.memref_slice %arg5[%add3A_200, %dma_wait3A_209, %dma_wait3A_210] : memref<32x1x16xf32, #tpu.memory_space<hbm>> -> memref<1x1x16xf32, #tpu.memory_space<hbm>>
      %dma_wait3A_212 = tpu.memref_squeeze %dma_wait3A_211 : memref<1x1x16xf32, #tpu.memory_space<hbm>> -> memref<1x16xf32, #tpu.memory_space<hbm>>
      %dma_wait3A_213 = arith.constant 0 : i32
      %dma_wait3A_214 = arith.constant 0 : i32
      %dma_wait3A_215 = tpu.memref_slice %arg5[%add3A_200, %dma_wait3A_213, %dma_wait3A_214] : memref<32x1x16xf32, #tpu.memory_space<hbm>> -> memref<1x1x16xf32, #tpu.memory_space<hbm>>
      %dma_wait3A_216 = tpu.memref_squeeze %dma_wait3A_215 : memref<1x1x16xf32, #tpu.memory_space<hbm>> -> memref<1x16xf32, #tpu.memory_space<hbm>>
      tpu.wait_dma2 semaphore(%run_scoped3A : memref<!tpu.dma_semaphore, #tpu.memory_space<semaphore_mem>>) src(%arg10 : memref<1x16xf32, #tpu.memory_space<vmem>>) dst(%dma_wait3A_216 : memref<1x16xf32, #tpu.memory_space<hbm>>)
      tpu.yield
    }) : () -> ()
    return
  }
}

module attributes {stable_mosaic.version = 14 : i64} {
  func.func @_tc_body(%arg0: memref<16xf32, #tpu.memory_space<smem>>, %arg1: memref<16xf32, #tpu.memory_space<smem>>, %arg2: memref<16x4096xf32, #tpu.memory_space<vmem>>, %arg3: memref<16x16xf32, #tpu.memory_space<vmem>>) attributes {dimension_semantics = [], scalar_prefetch = 0 : i64, scratch_operands = 0 : i64, tpu.core_type = #tpu.core_type<tc>} {
    %get3A = arith.constant 0 : index
    %get3A_0 = arith.constant 0 : index
    %get3A_1 = vector.load %arg2[%get3A, %get3A_0] : memref<16x4096xf32, #tpu.memory_space<vmem>>, vector<16x4096xf32>
    %slice3A = vector.extract_strided_slice %get3A_1 {offsets = [2, 0], sizes = [14, 4096], strides = [1, 1]} : vector<16x4096xf32> to vector<14x4096xf32>
    %ne3A = arith.constant 0.000000e+00 : f32
    %ne3A_2 = vector.broadcast %ne3A : f32 to vector<14x4096xf32>
    %ne3A_3 = arith.cmpf one, %slice3A, %ne3A_2 : vector<14x4096xf32>
    %jit3A = arith.constant 1.000000e+00 : f32
    %jit3A_4 = arith.constant 0.000000e+00 : f32
    %broadcast_in_dim3A = vector.broadcast %jit3A : f32 to vector<14x4096xf32>
    %broadcast_in_dim3A_5 = vector.broadcast %jit3A_4 : f32 to vector<14x4096xf32>
    %select_n3A = arith.select %ne3A_3, %broadcast_in_dim3A, %broadcast_in_dim3A_5 : vector<14x4096xi1>, vector<14x4096xf32>
    %exp3A = math.exp %slice3A : vector<14x4096xf32>
    %mul3A = arith.mulf %exp3A, %select_n3A : vector<14x4096xf32>
    %reduce_sum3A = arith.constant dense<0.000000e+00> : vector<14xf32>
    %reduce_sum3A_6 = vector.multi_reduction <add>, %mul3A, %reduce_sum3A [1] : vector<14x4096xf32> to vector<14xf32>
    %broadcast_in_dim3A_7 = vector.shape_cast %reduce_sum3A_6 : vector<14xf32> to vector<14x1xf32>
    %get3A_8 = arith.constant 0 : index
    %get3A_9 = memref.load %arg0[%get3A_8] : memref<16xf32, #tpu.memory_space<smem>>
    %mul3A_10 = vector.broadcast %get3A_9 : f32 to vector<14x4096xf32>
    %mul3A_11 = arith.mulf %mul3A_10, %slice3A : vector<14x4096xf32>
    %get3A_12 = arith.constant 0 : index
    %get3A_13 = memref.load %arg1[%get3A_12] : memref<16xf32, #tpu.memory_space<smem>>
    %add3A = vector.broadcast %get3A_13 : f32 to vector<14x4096xf32>
    %add3A_14 = arith.addf %mul3A_11, %add3A : vector<14x4096xf32>
    %mul3A_15 = arith.mulf %mul3A, %add3A_14 : vector<14x4096xf32>
    %reduce_sum3A_16 = arith.constant dense<0.000000e+00> : vector<14xf32>
    %reduce_sum3A_17 = vector.multi_reduction <add>, %mul3A_15, %reduce_sum3A_16 [1] : vector<14x4096xf32> to vector<14xf32>
    %broadcast_in_dim3A_18 = vector.shape_cast %reduce_sum3A_17 : vector<14xf32> to vector<14x1xf32>
    %get3A_19 = arith.constant 1 : index
    %get3A_20 = memref.load %arg0[%get3A_19] : memref<16xf32, #tpu.memory_space<smem>>
    %mul3A_21 = arith.constant 0.318309873 : f32
    %mul3A_22 = arith.mulf %get3A_20, %mul3A_21 : f32
    %get3A_23 = arith.constant 1 : index
    %get3A_24 = memref.load %arg1[%get3A_23] : memref<16xf32, #tpu.memory_space<smem>>
    %mul3A_25 = arith.constant 0.318309873 : f32
    %mul3A_26 = arith.mulf %get3A_24, %mul3A_25 : f32
    %mul3A_27 = vector.broadcast %mul3A_22 : f32 to vector<14x4096xf32>
    %mul3A_28 = arith.mulf %mul3A_27, %slice3A : vector<14x4096xf32>
    %add3A_29 = vector.broadcast %mul3A_26 : f32 to vector<14x4096xf32>
    %add3A_30 = arith.addf %mul3A_28, %add3A_29 : vector<14x4096xf32>
    %add3A_31 = arith.constant 0x4B400000 : f32
    %add3A_32 = vector.broadcast %add3A_31 : f32 to vector<14x4096xf32>
    %add3A_33 = arith.addf %add3A_30, %add3A_32 : vector<14x4096xf32>
    %bitcast_convert_type3A = tpu.bitcast %add3A_33 : vector<14x4096xf32> -> vector<14x4096xi32>
    %and3A = arith.constant 1 : i32
    %and3A_34 = vector.broadcast %and3A : i32 to vector<14x4096xi32>
    %and3A_35 = arith.andi %bitcast_convert_type3A, %and3A_34 : vector<14x4096xi32>
    %shift_left3A = arith.constant 31 : i32
    %shift_left3A_36 = vector.broadcast %shift_left3A : i32 to vector<14x4096xi32>
    %shift_left3A_37 = arith.shli %and3A_35, %shift_left3A_36 : vector<14x4096xi32>
    %sub3A = arith.constant 0x4B400000 : f32
    %sub3A_38 = vector.broadcast %sub3A : f32 to vector<14x4096xf32>
    %sub3A_39 = arith.subf %add3A_33, %sub3A_38 : vector<14x4096xf32>
    %sub3A_40 = arith.subf %add3A_30, %sub3A_39 : vector<14x4096xf32>
    %mul3A_41 = arith.mulf %sub3A_40, %sub3A_40 : vector<14x4096xf32>
    %mul3A_42 = arith.constant -0.55715996 : f32
    %mul3A_43 = vector.broadcast %mul3A_42 : f32 to vector<14x4096xf32>
    %mul3A_44 = arith.mulf %mul3A_43, %mul3A_41 : vector<14x4096xf32>
    %add3A_45 = arith.constant 2.54287577 : f32
    %add3A_46 = vector.broadcast %add3A_45 : f32 to vector<14x4096xf32>
    %add3A_47 = arith.addf %mul3A_44, %add3A_46 : vector<14x4096xf32>
    %mul3A_48 = arith.mulf %add3A_47, %mul3A_41 : vector<14x4096xf32>
    %add3A_49 = arith.constant -5.16724825 : f32
    %add3A_50 = vector.broadcast %add3A_49 : f32 to vector<14x4096xf32>
    %add3A_51 = arith.addf %mul3A_48, %add3A_50 : vector<14x4096xf32>
    %mul3A_52 = arith.mulf %add3A_51, %mul3A_41 : vector<14x4096xf32>
    %add3A_53 = arith.constant 3.14158487 : f32
    %add3A_54 = vector.broadcast %add3A_53 : f32 to vector<14x4096xf32>
    %add3A_55 = arith.addf %mul3A_52, %add3A_54 : vector<14x4096xf32>
    %mul3A_56 = arith.mulf %sub3A_40, %add3A_55 : vector<14x4096xf32>
    %bitcast_convert_type3A_57 = tpu.bitcast %mul3A_56 : vector<14x4096xf32> -> vector<14x4096xi32>
    %xor3A = arith.xori %bitcast_convert_type3A_57, %shift_left3A_37 : vector<14x4096xi32>
    %bitcast_convert_type3A_58 = tpu.bitcast %xor3A : vector<14x4096xi32> -> vector<14x4096xf32>
    %mul3A_59 = arith.mulf %mul3A, %bitcast_convert_type3A_58 : vector<14x4096xf32>
    %reduce_sum3A_60 = arith.constant dense<0.000000e+00> : vector<14xf32>
    %reduce_sum3A_61 = vector.multi_reduction <add>, %mul3A_59, %reduce_sum3A_60 [1] : vector<14x4096xf32> to vector<14xf32>
    %broadcast_in_dim3A_62 = vector.shape_cast %reduce_sum3A_61 : vector<14xf32> to vector<14x1xf32>
    %get3A_63 = arith.constant 2 : index
    %get3A_64 = memref.load %arg0[%get3A_63] : memref<16xf32, #tpu.memory_space<smem>>
    %mul3A_65 = arith.constant 0.318309873 : f32
    %mul3A_66 = arith.mulf %get3A_64, %mul3A_65 : f32
    %get3A_67 = arith.constant 2 : index
    %get3A_68 = memref.load %arg1[%get3A_67] : memref<16xf32, #tpu.memory_space<smem>>
    %mul3A_69 = arith.constant 0.318309873 : f32
    %mul3A_70 = arith.mulf %get3A_68, %mul3A_69 : f32
    %mul3A_71 = vector.broadcast %mul3A_66 : f32 to vector<14x4096xf32>
    %mul3A_72 = arith.mulf %mul3A_71, %slice3A : vector<14x4096xf32>
    %add3A_73 = vector.broadcast %mul3A_70 : f32 to vector<14x4096xf32>
    %add3A_74 = arith.addf %mul3A_72, %add3A_73 : vector<14x4096xf32>
    %add3A_75 = arith.constant 0x4B400000 : f32
    %add3A_76 = vector.broadcast %add3A_75 : f32 to vector<14x4096xf32>
    %add3A_77 = arith.addf %add3A_74, %add3A_76 : vector<14x4096xf32>
    %bitcast_convert_type3A_78 = tpu.bitcast %add3A_77 : vector<14x4096xf32> -> vector<14x4096xi32>
    %and3A_79 = arith.constant 1 : i32
    %and3A_80 = vector.broadcast %and3A_79 : i32 to vector<14x4096xi32>
    %and3A_81 = arith.andi %bitcast_convert_type3A_78, %and3A_80 : vector<14x4096xi32>
    %shift_left3A_82 = arith.constant 31 : i32
    %shift_left3A_83 = vector.broadcast %shift_left3A_82 : i32 to vector<14x4096xi32>
    %shift_left3A_84 = arith.shli %and3A_81, %shift_left3A_83 : vector<14x4096xi32>
    %sub3A_85 = arith.constant 0x4B400000 : f32
    %sub3A_86 = vector.broadcast %sub3A_85 : f32 to vector<14x4096xf32>
    %sub3A_87 = arith.subf %add3A_77, %sub3A_86 : vector<14x4096xf32>
    %sub3A_88 = arith.subf %add3A_74, %sub3A_87 : vector<14x4096xf32>
    %mul3A_89 = arith.mulf %sub3A_88, %sub3A_88 : vector<14x4096xf32>
    %mul3A_90 = arith.constant -0.55715996 : f32
    %mul3A_91 = vector.broadcast %mul3A_90 : f32 to vector<14x4096xf32>
    %mul3A_92 = arith.mulf %mul3A_91, %mul3A_89 : vector<14x4096xf32>
    %add3A_93 = arith.constant 2.54287577 : f32
    %add3A_94 = vector.broadcast %add3A_93 : f32 to vector<14x4096xf32>
    %add3A_95 = arith.addf %mul3A_92, %add3A_94 : vector<14x4096xf32>
    %mul3A_96 = arith.mulf %add3A_95, %mul3A_89 : vector<14x4096xf32>
    %add3A_97 = arith.constant -5.16724825 : f32
    %add3A_98 = vector.broadcast %add3A_97 : f32 to vector<14x4096xf32>
    %add3A_99 = arith.addf %mul3A_96, %add3A_98 : vector<14x4096xf32>
    %mul3A_100 = arith.mulf %add3A_99, %mul3A_89 : vector<14x4096xf32>
    %add3A_101 = arith.constant 3.14158487 : f32
    %add3A_102 = vector.broadcast %add3A_101 : f32 to vector<14x4096xf32>
    %add3A_103 = arith.addf %mul3A_100, %add3A_102 : vector<14x4096xf32>
    %mul3A_104 = arith.mulf %sub3A_88, %add3A_103 : vector<14x4096xf32>
    %bitcast_convert_type3A_105 = tpu.bitcast %mul3A_104 : vector<14x4096xf32> -> vector<14x4096xi32>
    %xor3A_106 = arith.xori %bitcast_convert_type3A_105, %shift_left3A_84 : vector<14x4096xi32>
    %bitcast_convert_type3A_107 = tpu.bitcast %xor3A_106 : vector<14x4096xi32> -> vector<14x4096xf32>
    %mul3A_108 = arith.mulf %mul3A, %bitcast_convert_type3A_107 : vector<14x4096xf32>
    %reduce_sum3A_109 = arith.constant dense<0.000000e+00> : vector<14xf32>
    %reduce_sum3A_110 = vector.multi_reduction <add>, %mul3A_108, %reduce_sum3A_109 [1] : vector<14x4096xf32> to vector<14xf32>
    %broadcast_in_dim3A_111 = vector.shape_cast %reduce_sum3A_110 : vector<14xf32> to vector<14x1xf32>
    %get3A_112 = arith.constant 3 : index
    %get3A_113 = memref.load %arg0[%get3A_112] : memref<16xf32, #tpu.memory_space<smem>>
    %mul3A_114 = arith.constant 0.318309873 : f32
    %mul3A_115 = arith.mulf %get3A_113, %mul3A_114 : f32
    %get3A_116 = arith.constant 3 : index
    %get3A_117 = memref.load %arg1[%get3A_116] : memref<16xf32, #tpu.memory_space<smem>>
    %mul3A_118 = arith.constant 0.318309873 : f32
    %mul3A_119 = arith.mulf %get3A_117, %mul3A_118 : f32
    %mul3A_120 = vector.broadcast %mul3A_115 : f32 to vector<14x4096xf32>
    %mul3A_121 = arith.mulf %mul3A_120, %slice3A : vector<14x4096xf32>
    %add3A_122 = vector.broadcast %mul3A_119 : f32 to vector<14x4096xf32>
    %add3A_123 = arith.addf %mul3A_121, %add3A_122 : vector<14x4096xf32>
    %add3A_124 = arith.constant 0x4B400000 : f32
    %add3A_125 = vector.broadcast %add3A_124 : f32 to vector<14x4096xf32>
    %add3A_126 = arith.addf %add3A_123, %add3A_125 : vector<14x4096xf32>
    %bitcast_convert_type3A_127 = tpu.bitcast %add3A_126 : vector<14x4096xf32> -> vector<14x4096xi32>
    %and3A_128 = arith.constant 1 : i32
    %and3A_129 = vector.broadcast %and3A_128 : i32 to vector<14x4096xi32>
    %and3A_130 = arith.andi %bitcast_convert_type3A_127, %and3A_129 : vector<14x4096xi32>
    %shift_left3A_131 = arith.constant 31 : i32
    %shift_left3A_132 = vector.broadcast %shift_left3A_131 : i32 to vector<14x4096xi32>
    %shift_left3A_133 = arith.shli %and3A_130, %shift_left3A_132 : vector<14x4096xi32>
    %sub3A_134 = arith.constant 0x4B400000 : f32
    %sub3A_135 = vector.broadcast %sub3A_134 : f32 to vector<14x4096xf32>
    %sub3A_136 = arith.subf %add3A_126, %sub3A_135 : vector<14x4096xf32>
    %sub3A_137 = arith.subf %add3A_123, %sub3A_136 : vector<14x4096xf32>
    %mul3A_138 = arith.mulf %sub3A_137, %sub3A_137 : vector<14x4096xf32>
    %mul3A_139 = arith.constant -0.55715996 : f32
    %mul3A_140 = vector.broadcast %mul3A_139 : f32 to vector<14x4096xf32>
    %mul3A_141 = arith.mulf %mul3A_140, %mul3A_138 : vector<14x4096xf32>
    %add3A_142 = arith.constant 2.54287577 : f32
    %add3A_143 = vector.broadcast %add3A_142 : f32 to vector<14x4096xf32>
    %add3A_144 = arith.addf %mul3A_141, %add3A_143 : vector<14x4096xf32>
    %mul3A_145 = arith.mulf %add3A_144, %mul3A_138 : vector<14x4096xf32>
    %add3A_146 = arith.constant -5.16724825 : f32
    %add3A_147 = vector.broadcast %add3A_146 : f32 to vector<14x4096xf32>
    %add3A_148 = arith.addf %mul3A_145, %add3A_147 : vector<14x4096xf32>
    %mul3A_149 = arith.mulf %add3A_148, %mul3A_138 : vector<14x4096xf32>
    %add3A_150 = arith.constant 3.14158487 : f32
    %add3A_151 = vector.broadcast %add3A_150 : f32 to vector<14x4096xf32>
    %add3A_152 = arith.addf %mul3A_149, %add3A_151 : vector<14x4096xf32>
    %mul3A_153 = arith.mulf %sub3A_137, %add3A_152 : vector<14x4096xf32>
    %bitcast_convert_type3A_154 = tpu.bitcast %mul3A_153 : vector<14x4096xf32> -> vector<14x4096xi32>
    %xor3A_155 = arith.xori %bitcast_convert_type3A_154, %shift_left3A_133 : vector<14x4096xi32>
    %bitcast_convert_type3A_156 = tpu.bitcast %xor3A_155 : vector<14x4096xi32> -> vector<14x4096xf32>
    %mul3A_157 = arith.mulf %mul3A, %bitcast_convert_type3A_156 : vector<14x4096xf32>
    %reduce_sum3A_158 = arith.constant dense<0.000000e+00> : vector<14xf32>
    %reduce_sum3A_159 = vector.multi_reduction <add>, %mul3A_157, %reduce_sum3A_158 [1] : vector<14x4096xf32> to vector<14xf32>
    %broadcast_in_dim3A_160 = vector.shape_cast %reduce_sum3A_159 : vector<14xf32> to vector<14x1xf32>
    %get3A_161 = arith.constant 4 : index
    %get3A_162 = memref.load %arg0[%get3A_161] : memref<16xf32, #tpu.memory_space<smem>>
    %mul3A_163 = arith.constant 0.318309873 : f32
    %mul3A_164 = arith.mulf %get3A_162, %mul3A_163 : f32
    %get3A_165 = arith.constant 4 : index
    %get3A_166 = memref.load %arg1[%get3A_165] : memref<16xf32, #tpu.memory_space<smem>>
    %mul3A_167 = arith.constant 0.318309873 : f32
    %mul3A_168 = arith.mulf %get3A_166, %mul3A_167 : f32
    %mul3A_169 = vector.broadcast %mul3A_164 : f32 to vector<14x4096xf32>
    %mul3A_170 = arith.mulf %mul3A_169, %slice3A : vector<14x4096xf32>
    %add3A_171 = vector.broadcast %mul3A_168 : f32 to vector<14x4096xf32>
    %add3A_172 = arith.addf %mul3A_170, %add3A_171 : vector<14x4096xf32>
    %add3A_173 = arith.constant 0x4B400000 : f32
    %add3A_174 = vector.broadcast %add3A_173 : f32 to vector<14x4096xf32>
    %add3A_175 = arith.addf %add3A_172, %add3A_174 : vector<14x4096xf32>
    %bitcast_convert_type3A_176 = tpu.bitcast %add3A_175 : vector<14x4096xf32> -> vector<14x4096xi32>
    %and3A_177 = arith.constant 1 : i32
    %and3A_178 = vector.broadcast %and3A_177 : i32 to vector<14x4096xi32>
    %and3A_179 = arith.andi %bitcast_convert_type3A_176, %and3A_178 : vector<14x4096xi32>
    %shift_left3A_180 = arith.constant 31 : i32
    %shift_left3A_181 = vector.broadcast %shift_left3A_180 : i32 to vector<14x4096xi32>
    %shift_left3A_182 = arith.shli %and3A_179, %shift_left3A_181 : vector<14x4096xi32>
    %sub3A_183 = arith.constant 0x4B400000 : f32
    %sub3A_184 = vector.broadcast %sub3A_183 : f32 to vector<14x4096xf32>
    %sub3A_185 = arith.subf %add3A_175, %sub3A_184 : vector<14x4096xf32>
    %sub3A_186 = arith.subf %add3A_172, %sub3A_185 : vector<14x4096xf32>
    %mul3A_187 = arith.mulf %sub3A_186, %sub3A_186 : vector<14x4096xf32>
    %mul3A_188 = arith.constant -0.55715996 : f32
    %mul3A_189 = vector.broadcast %mul3A_188 : f32 to vector<14x4096xf32>
    %mul3A_190 = arith.mulf %mul3A_189, %mul3A_187 : vector<14x4096xf32>
    %add3A_191 = arith.constant 2.54287577 : f32
    %add3A_192 = vector.broadcast %add3A_191 : f32 to vector<14x4096xf32>
    %add3A_193 = arith.addf %mul3A_190, %add3A_192 : vector<14x4096xf32>
    %mul3A_194 = arith.mulf %add3A_193, %mul3A_187 : vector<14x4096xf32>
    %add3A_195 = arith.constant -5.16724825 : f32
    %add3A_196 = vector.broadcast %add3A_195 : f32 to vector<14x4096xf32>
    %add3A_197 = arith.addf %mul3A_194, %add3A_196 : vector<14x4096xf32>
    %mul3A_198 = arith.mulf %add3A_197, %mul3A_187 : vector<14x4096xf32>
    %add3A_199 = arith.constant 3.14158487 : f32
    %add3A_200 = vector.broadcast %add3A_199 : f32 to vector<14x4096xf32>
    %add3A_201 = arith.addf %mul3A_198, %add3A_200 : vector<14x4096xf32>
    %mul3A_202 = arith.mulf %sub3A_186, %add3A_201 : vector<14x4096xf32>
    %bitcast_convert_type3A_203 = tpu.bitcast %mul3A_202 : vector<14x4096xf32> -> vector<14x4096xi32>
    %xor3A_204 = arith.xori %bitcast_convert_type3A_203, %shift_left3A_182 : vector<14x4096xi32>
    %bitcast_convert_type3A_205 = tpu.bitcast %xor3A_204 : vector<14x4096xi32> -> vector<14x4096xf32>
    %mul3A_206 = arith.mulf %mul3A, %bitcast_convert_type3A_205 : vector<14x4096xf32>
    %reduce_sum3A_207 = arith.constant dense<0.000000e+00> : vector<14xf32>
    %reduce_sum3A_208 = vector.multi_reduction <add>, %mul3A_206, %reduce_sum3A_207 [1] : vector<14x4096xf32> to vector<14xf32>
    %broadcast_in_dim3A_209 = vector.shape_cast %reduce_sum3A_208 : vector<14xf32> to vector<14x1xf32>
    %get3A_210 = arith.constant 5 : index
    %get3A_211 = memref.load %arg0[%get3A_210] : memref<16xf32, #tpu.memory_space<smem>>
    %mul3A_212 = arith.constant 0.318309873 : f32
    %mul3A_213 = arith.mulf %get3A_211, %mul3A_212 : f32
    %get3A_214 = arith.constant 5 : index
    %get3A_215 = memref.load %arg1[%get3A_214] : memref<16xf32, #tpu.memory_space<smem>>
    %mul3A_216 = arith.constant 0.318309873 : f32
    %mul3A_217 = arith.mulf %get3A_215, %mul3A_216 : f32
    %mul3A_218 = vector.broadcast %mul3A_213 : f32 to vector<14x4096xf32>
    %mul3A_219 = arith.mulf %mul3A_218, %slice3A : vector<14x4096xf32>
    %add3A_220 = vector.broadcast %mul3A_217 : f32 to vector<14x4096xf32>
    %add3A_221 = arith.addf %mul3A_219, %add3A_220 : vector<14x4096xf32>
    %add3A_222 = arith.constant 0x4B400000 : f32
    %add3A_223 = vector.broadcast %add3A_222 : f32 to vector<14x4096xf32>
    %add3A_224 = arith.addf %add3A_221, %add3A_223 : vector<14x4096xf32>
    %bitcast_convert_type3A_225 = tpu.bitcast %add3A_224 : vector<14x4096xf32> -> vector<14x4096xi32>
    %and3A_226 = arith.constant 1 : i32
    %and3A_227 = vector.broadcast %and3A_226 : i32 to vector<14x4096xi32>
    %and3A_228 = arith.andi %bitcast_convert_type3A_225, %and3A_227 : vector<14x4096xi32>
    %shift_left3A_229 = arith.constant 31 : i32
    %shift_left3A_230 = vector.broadcast %shift_left3A_229 : i32 to vector<14x4096xi32>
    %shift_left3A_231 = arith.shli %and3A_228, %shift_left3A_230 : vector<14x4096xi32>
    %sub3A_232 = arith.constant 0x4B400000 : f32
    %sub3A_233 = vector.broadcast %sub3A_232 : f32 to vector<14x4096xf32>
    %sub3A_234 = arith.subf %add3A_224, %sub3A_233 : vector<14x4096xf32>
    %sub3A_235 = arith.subf %add3A_221, %sub3A_234 : vector<14x4096xf32>
    %mul3A_236 = arith.mulf %sub3A_235, %sub3A_235 : vector<14x4096xf32>
    %mul3A_237 = arith.constant -0.55715996 : f32
    %mul3A_238 = vector.broadcast %mul3A_237 : f32 to vector<14x4096xf32>
    %mul3A_239 = arith.mulf %mul3A_238, %mul3A_236 : vector<14x4096xf32>
    %add3A_240 = arith.constant 2.54287577 : f32
    %add3A_241 = vector.broadcast %add3A_240 : f32 to vector<14x4096xf32>
    %add3A_242 = arith.addf %mul3A_239, %add3A_241 : vector<14x4096xf32>
    %mul3A_243 = arith.mulf %add3A_242, %mul3A_236 : vector<14x4096xf32>
    %add3A_244 = arith.constant -5.16724825 : f32
    %add3A_245 = vector.broadcast %add3A_244 : f32 to vector<14x4096xf32>
    %add3A_246 = arith.addf %mul3A_243, %add3A_245 : vector<14x4096xf32>
    %mul3A_247 = arith.mulf %add3A_246, %mul3A_236 : vector<14x4096xf32>
    %add3A_248 = arith.constant 3.14158487 : f32
    %add3A_249 = vector.broadcast %add3A_248 : f32 to vector<14x4096xf32>
    %add3A_250 = arith.addf %mul3A_247, %add3A_249 : vector<14x4096xf32>
    %mul3A_251 = arith.mulf %sub3A_235, %add3A_250 : vector<14x4096xf32>
    %bitcast_convert_type3A_252 = tpu.bitcast %mul3A_251 : vector<14x4096xf32> -> vector<14x4096xi32>
    %xor3A_253 = arith.xori %bitcast_convert_type3A_252, %shift_left3A_231 : vector<14x4096xi32>
    %bitcast_convert_type3A_254 = tpu.bitcast %xor3A_253 : vector<14x4096xi32> -> vector<14x4096xf32>
    %mul3A_255 = arith.mulf %mul3A, %bitcast_convert_type3A_254 : vector<14x4096xf32>
    %reduce_sum3A_256 = arith.constant dense<0.000000e+00> : vector<14xf32>
    %reduce_sum3A_257 = vector.multi_reduction <add>, %mul3A_255, %reduce_sum3A_256 [1] : vector<14x4096xf32> to vector<14xf32>
    %broadcast_in_dim3A_258 = vector.shape_cast %reduce_sum3A_257 : vector<14xf32> to vector<14x1xf32>
    %get3A_259 = arith.constant 6 : index
    %get3A_260 = memref.load %arg0[%get3A_259] : memref<16xf32, #tpu.memory_space<smem>>
    %mul3A_261 = arith.constant 0.318309873 : f32
    %mul3A_262 = arith.mulf %get3A_260, %mul3A_261 : f32
    %get3A_263 = arith.constant 6 : index
    %get3A_264 = memref.load %arg1[%get3A_263] : memref<16xf32, #tpu.memory_space<smem>>
    %mul3A_265 = arith.constant 0.318309873 : f32
    %mul3A_266 = arith.mulf %get3A_264, %mul3A_265 : f32
    %mul3A_267 = vector.broadcast %mul3A_262 : f32 to vector<14x4096xf32>
    %mul3A_268 = arith.mulf %mul3A_267, %slice3A : vector<14x4096xf32>
    %add3A_269 = vector.broadcast %mul3A_266 : f32 to vector<14x4096xf32>
    %add3A_270 = arith.addf %mul3A_268, %add3A_269 : vector<14x4096xf32>
    %add3A_271 = arith.constant 0x4B400000 : f32
    %add3A_272 = vector.broadcast %add3A_271 : f32 to vector<14x4096xf32>
    %add3A_273 = arith.addf %add3A_270, %add3A_272 : vector<14x4096xf32>
    %bitcast_convert_type3A_274 = tpu.bitcast %add3A_273 : vector<14x4096xf32> -> vector<14x4096xi32>
    %and3A_275 = arith.constant 1 : i32
    %and3A_276 = vector.broadcast %and3A_275 : i32 to vector<14x4096xi32>
    %and3A_277 = arith.andi %bitcast_convert_type3A_274, %and3A_276 : vector<14x4096xi32>
    %shift_left3A_278 = arith.constant 31 : i32
    %shift_left3A_279 = vector.broadcast %shift_left3A_278 : i32 to vector<14x4096xi32>
    %shift_left3A_280 = arith.shli %and3A_277, %shift_left3A_279 : vector<14x4096xi32>
    %sub3A_281 = arith.constant 0x4B400000 : f32
    %sub3A_282 = vector.broadcast %sub3A_281 : f32 to vector<14x4096xf32>
    %sub3A_283 = arith.subf %add3A_273, %sub3A_282 : vector<14x4096xf32>
    %sub3A_284 = arith.subf %add3A_270, %sub3A_283 : vector<14x4096xf32>
    %mul3A_285 = arith.mulf %sub3A_284, %sub3A_284 : vector<14x4096xf32>
    %mul3A_286 = arith.constant -0.55715996 : f32
    %mul3A_287 = vector.broadcast %mul3A_286 : f32 to vector<14x4096xf32>
    %mul3A_288 = arith.mulf %mul3A_287, %mul3A_285 : vector<14x4096xf32>
    %add3A_289 = arith.constant 2.54287577 : f32
    %add3A_290 = vector.broadcast %add3A_289 : f32 to vector<14x4096xf32>
    %add3A_291 = arith.addf %mul3A_288, %add3A_290 : vector<14x4096xf32>
    %mul3A_292 = arith.mulf %add3A_291, %mul3A_285 : vector<14x4096xf32>
    %add3A_293 = arith.constant -5.16724825 : f32
    %add3A_294 = vector.broadcast %add3A_293 : f32 to vector<14x4096xf32>
    %add3A_295 = arith.addf %mul3A_292, %add3A_294 : vector<14x4096xf32>
    %mul3A_296 = arith.mulf %add3A_295, %mul3A_285 : vector<14x4096xf32>
    %add3A_297 = arith.constant 3.14158487 : f32
    %add3A_298 = vector.broadcast %add3A_297 : f32 to vector<14x4096xf32>
    %add3A_299 = arith.addf %mul3A_296, %add3A_298 : vector<14x4096xf32>
    %mul3A_300 = arith.mulf %sub3A_284, %add3A_299 : vector<14x4096xf32>
    %bitcast_convert_type3A_301 = tpu.bitcast %mul3A_300 : vector<14x4096xf32> -> vector<14x4096xi32>
    %xor3A_302 = arith.xori %bitcast_convert_type3A_301, %shift_left3A_280 : vector<14x4096xi32>
    %bitcast_convert_type3A_303 = tpu.bitcast %xor3A_302 : vector<14x4096xi32> -> vector<14x4096xf32>
    %mul3A_304 = arith.mulf %mul3A, %bitcast_convert_type3A_303 : vector<14x4096xf32>
    %reduce_sum3A_305 = arith.constant dense<0.000000e+00> : vector<14xf32>
    %reduce_sum3A_306 = vector.multi_reduction <add>, %mul3A_304, %reduce_sum3A_305 [1] : vector<14x4096xf32> to vector<14xf32>
    %broadcast_in_dim3A_307 = vector.shape_cast %reduce_sum3A_306 : vector<14xf32> to vector<14x1xf32>
    %get3A_308 = arith.constant 7 : index
    %get3A_309 = memref.load %arg0[%get3A_308] : memref<16xf32, #tpu.memory_space<smem>>
    %mul3A_310 = arith.constant 0.318309873 : f32
    %mul3A_311 = arith.mulf %get3A_309, %mul3A_310 : f32
    %get3A_312 = arith.constant 7 : index
    %get3A_313 = memref.load %arg1[%get3A_312] : memref<16xf32, #tpu.memory_space<smem>>
    %mul3A_314 = arith.constant 0.318309873 : f32
    %mul3A_315 = arith.mulf %get3A_313, %mul3A_314 : f32
    %mul3A_316 = vector.broadcast %mul3A_311 : f32 to vector<14x4096xf32>
    %mul3A_317 = arith.mulf %mul3A_316, %slice3A : vector<14x4096xf32>
    %add3A_318 = vector.broadcast %mul3A_315 : f32 to vector<14x4096xf32>
    %add3A_319 = arith.addf %mul3A_317, %add3A_318 : vector<14x4096xf32>
    %add3A_320 = arith.constant 0x4B400000 : f32
    %add3A_321 = vector.broadcast %add3A_320 : f32 to vector<14x4096xf32>
    %add3A_322 = arith.addf %add3A_319, %add3A_321 : vector<14x4096xf32>
    %bitcast_convert_type3A_323 = tpu.bitcast %add3A_322 : vector<14x4096xf32> -> vector<14x4096xi32>
    %and3A_324 = arith.constant 1 : i32
    %and3A_325 = vector.broadcast %and3A_324 : i32 to vector<14x4096xi32>
    %and3A_326 = arith.andi %bitcast_convert_type3A_323, %and3A_325 : vector<14x4096xi32>
    %shift_left3A_327 = arith.constant 31 : i32
    %shift_left3A_328 = vector.broadcast %shift_left3A_327 : i32 to vector<14x4096xi32>
    %shift_left3A_329 = arith.shli %and3A_326, %shift_left3A_328 : vector<14x4096xi32>
    %sub3A_330 = arith.constant 0x4B400000 : f32
    %sub3A_331 = vector.broadcast %sub3A_330 : f32 to vector<14x4096xf32>
    %sub3A_332 = arith.subf %add3A_322, %sub3A_331 : vector<14x4096xf32>
    %sub3A_333 = arith.subf %add3A_319, %sub3A_332 : vector<14x4096xf32>
    %mul3A_334 = arith.mulf %sub3A_333, %sub3A_333 : vector<14x4096xf32>
    %mul3A_335 = arith.constant -0.55715996 : f32
    %mul3A_336 = vector.broadcast %mul3A_335 : f32 to vector<14x4096xf32>
    %mul3A_337 = arith.mulf %mul3A_336, %mul3A_334 : vector<14x4096xf32>
    %add3A_338 = arith.constant 2.54287577 : f32
    %add3A_339 = vector.broadcast %add3A_338 : f32 to vector<14x4096xf32>
    %add3A_340 = arith.addf %mul3A_337, %add3A_339 : vector<14x4096xf32>
    %mul3A_341 = arith.mulf %add3A_340, %mul3A_334 : vector<14x4096xf32>
    %add3A_342 = arith.constant -5.16724825 : f32
    %add3A_343 = vector.broadcast %add3A_342 : f32 to vector<14x4096xf32>
    %add3A_344 = arith.addf %mul3A_341, %add3A_343 : vector<14x4096xf32>
    %mul3A_345 = arith.mulf %add3A_344, %mul3A_334 : vector<14x4096xf32>
    %add3A_346 = arith.constant 3.14158487 : f32
    %add3A_347 = vector.broadcast %add3A_346 : f32 to vector<14x4096xf32>
    %add3A_348 = arith.addf %mul3A_345, %add3A_347 : vector<14x4096xf32>
    %mul3A_349 = arith.mulf %sub3A_333, %add3A_348 : vector<14x4096xf32>
    %bitcast_convert_type3A_350 = tpu.bitcast %mul3A_349 : vector<14x4096xf32> -> vector<14x4096xi32>
    %xor3A_351 = arith.xori %bitcast_convert_type3A_350, %shift_left3A_329 : vector<14x4096xi32>
    %bitcast_convert_type3A_352 = tpu.bitcast %xor3A_351 : vector<14x4096xi32> -> vector<14x4096xf32>
    %mul3A_353 = arith.mulf %mul3A, %bitcast_convert_type3A_352 : vector<14x4096xf32>
    %reduce_sum3A_354 = arith.constant dense<0.000000e+00> : vector<14xf32>
    %reduce_sum3A_355 = vector.multi_reduction <add>, %mul3A_353, %reduce_sum3A_354 [1] : vector<14x4096xf32> to vector<14xf32>
    %broadcast_in_dim3A_356 = vector.shape_cast %reduce_sum3A_355 : vector<14xf32> to vector<14x1xf32>
    %get3A_357 = arith.constant 8 : index
    %get3A_358 = memref.load %arg0[%get3A_357] : memref<16xf32, #tpu.memory_space<smem>>
    %mul3A_359 = arith.constant 0.318309873 : f32
    %mul3A_360 = arith.mulf %get3A_358, %mul3A_359 : f32
    %get3A_361 = arith.constant 8 : index
    %get3A_362 = memref.load %arg1[%get3A_361] : memref<16xf32, #tpu.memory_space<smem>>
    %mul3A_363 = arith.constant 0.318309873 : f32
    %mul3A_364 = arith.mulf %get3A_362, %mul3A_363 : f32
    %mul3A_365 = vector.broadcast %mul3A_360 : f32 to vector<14x4096xf32>
    %mul3A_366 = arith.mulf %mul3A_365, %slice3A : vector<14x4096xf32>
    %add3A_367 = vector.broadcast %mul3A_364 : f32 to vector<14x4096xf32>
    %add3A_368 = arith.addf %mul3A_366, %add3A_367 : vector<14x4096xf32>
    %add3A_369 = arith.constant 0x4B400000 : f32
    %add3A_370 = vector.broadcast %add3A_369 : f32 to vector<14x4096xf32>
    %add3A_371 = arith.addf %add3A_368, %add3A_370 : vector<14x4096xf32>
    %bitcast_convert_type3A_372 = tpu.bitcast %add3A_371 : vector<14x4096xf32> -> vector<14x4096xi32>
    %and3A_373 = arith.constant 1 : i32
    %and3A_374 = vector.broadcast %and3A_373 : i32 to vector<14x4096xi32>
    %and3A_375 = arith.andi %bitcast_convert_type3A_372, %and3A_374 : vector<14x4096xi32>
    %shift_left3A_376 = arith.constant 31 : i32
    %shift_left3A_377 = vector.broadcast %shift_left3A_376 : i32 to vector<14x4096xi32>
    %shift_left3A_378 = arith.shli %and3A_375, %shift_left3A_377 : vector<14x4096xi32>
    %sub3A_379 = arith.constant 0x4B400000 : f32
    %sub3A_380 = vector.broadcast %sub3A_379 : f32 to vector<14x4096xf32>
    %sub3A_381 = arith.subf %add3A_371, %sub3A_380 : vector<14x4096xf32>
    %sub3A_382 = arith.subf %add3A_368, %sub3A_381 : vector<14x4096xf32>
    %mul3A_383 = arith.mulf %sub3A_382, %sub3A_382 : vector<14x4096xf32>
    %mul3A_384 = arith.constant -0.55715996 : f32
    %mul3A_385 = vector.broadcast %mul3A_384 : f32 to vector<14x4096xf32>
    %mul3A_386 = arith.mulf %mul3A_385, %mul3A_383 : vector<14x4096xf32>
    %add3A_387 = arith.constant 2.54287577 : f32
    %add3A_388 = vector.broadcast %add3A_387 : f32 to vector<14x4096xf32>
    %add3A_389 = arith.addf %mul3A_386, %add3A_388 : vector<14x4096xf32>
    %mul3A_390 = arith.mulf %add3A_389, %mul3A_383 : vector<14x4096xf32>
    %add3A_391 = arith.constant -5.16724825 : f32
    %add3A_392 = vector.broadcast %add3A_391 : f32 to vector<14x4096xf32>
    %add3A_393 = arith.addf %mul3A_390, %add3A_392 : vector<14x4096xf32>
    %mul3A_394 = arith.mulf %add3A_393, %mul3A_383 : vector<14x4096xf32>
    %add3A_395 = arith.constant 3.14158487 : f32
    %add3A_396 = vector.broadcast %add3A_395 : f32 to vector<14x4096xf32>
    %add3A_397 = arith.addf %mul3A_394, %add3A_396 : vector<14x4096xf32>
    %mul3A_398 = arith.mulf %sub3A_382, %add3A_397 : vector<14x4096xf32>
    %bitcast_convert_type3A_399 = tpu.bitcast %mul3A_398 : vector<14x4096xf32> -> vector<14x4096xi32>
    %xor3A_400 = arith.xori %bitcast_convert_type3A_399, %shift_left3A_378 : vector<14x4096xi32>
    %bitcast_convert_type3A_401 = tpu.bitcast %xor3A_400 : vector<14x4096xi32> -> vector<14x4096xf32>
    %mul3A_402 = arith.mulf %mul3A, %bitcast_convert_type3A_401 : vector<14x4096xf32>
    %reduce_sum3A_403 = arith.constant dense<0.000000e+00> : vector<14xf32>
    %reduce_sum3A_404 = vector.multi_reduction <add>, %mul3A_402, %reduce_sum3A_403 [1] : vector<14x4096xf32> to vector<14xf32>
    %broadcast_in_dim3A_405 = vector.shape_cast %reduce_sum3A_404 : vector<14xf32> to vector<14x1xf32>
    %get3A_406 = arith.constant 9 : index
    %get3A_407 = memref.load %arg0[%get3A_406] : memref<16xf32, #tpu.memory_space<smem>>
    %mul3A_408 = arith.constant 0.318309873 : f32
    %mul3A_409 = arith.mulf %get3A_407, %mul3A_408 : f32
    %get3A_410 = arith.constant 9 : index
    %get3A_411 = memref.load %arg1[%get3A_410] : memref<16xf32, #tpu.memory_space<smem>>
    %mul3A_412 = arith.constant 0.318309873 : f32
    %mul3A_413 = arith.mulf %get3A_411, %mul3A_412 : f32
    %mul3A_414 = vector.broadcast %mul3A_409 : f32 to vector<14x4096xf32>
    %mul3A_415 = arith.mulf %mul3A_414, %slice3A : vector<14x4096xf32>
    %add3A_416 = vector.broadcast %mul3A_413 : f32 to vector<14x4096xf32>
    %add3A_417 = arith.addf %mul3A_415, %add3A_416 : vector<14x4096xf32>
    %add3A_418 = arith.constant 0x4B400000 : f32
    %add3A_419 = vector.broadcast %add3A_418 : f32 to vector<14x4096xf32>
    %add3A_420 = arith.addf %add3A_417, %add3A_419 : vector<14x4096xf32>
    %bitcast_convert_type3A_421 = tpu.bitcast %add3A_420 : vector<14x4096xf32> -> vector<14x4096xi32>
    %and3A_422 = arith.constant 1 : i32
    %and3A_423 = vector.broadcast %and3A_422 : i32 to vector<14x4096xi32>
    %and3A_424 = arith.andi %bitcast_convert_type3A_421, %and3A_423 : vector<14x4096xi32>
    %shift_left3A_425 = arith.constant 31 : i32
    %shift_left3A_426 = vector.broadcast %shift_left3A_425 : i32 to vector<14x4096xi32>
    %shift_left3A_427 = arith.shli %and3A_424, %shift_left3A_426 : vector<14x4096xi32>
    %sub3A_428 = arith.constant 0x4B400000 : f32
    %sub3A_429 = vector.broadcast %sub3A_428 : f32 to vector<14x4096xf32>
    %sub3A_430 = arith.subf %add3A_420, %sub3A_429 : vector<14x4096xf32>
    %sub3A_431 = arith.subf %add3A_417, %sub3A_430 : vector<14x4096xf32>
    %mul3A_432 = arith.mulf %sub3A_431, %sub3A_431 : vector<14x4096xf32>
    %mul3A_433 = arith.constant -0.55715996 : f32
    %mul3A_434 = vector.broadcast %mul3A_433 : f32 to vector<14x4096xf32>
    %mul3A_435 = arith.mulf %mul3A_434, %mul3A_432 : vector<14x4096xf32>
    %add3A_436 = arith.constant 2.54287577 : f32
    %add3A_437 = vector.broadcast %add3A_436 : f32 to vector<14x4096xf32>
    %add3A_438 = arith.addf %mul3A_435, %add3A_437 : vector<14x4096xf32>
    %mul3A_439 = arith.mulf %add3A_438, %mul3A_432 : vector<14x4096xf32>
    %add3A_440 = arith.constant -5.16724825 : f32
    %add3A_441 = vector.broadcast %add3A_440 : f32 to vector<14x4096xf32>
    %add3A_442 = arith.addf %mul3A_439, %add3A_441 : vector<14x4096xf32>
    %mul3A_443 = arith.mulf %add3A_442, %mul3A_432 : vector<14x4096xf32>
    %add3A_444 = arith.constant 3.14158487 : f32
    %add3A_445 = vector.broadcast %add3A_444 : f32 to vector<14x4096xf32>
    %add3A_446 = arith.addf %mul3A_443, %add3A_445 : vector<14x4096xf32>
    %mul3A_447 = arith.mulf %sub3A_431, %add3A_446 : vector<14x4096xf32>
    %bitcast_convert_type3A_448 = tpu.bitcast %mul3A_447 : vector<14x4096xf32> -> vector<14x4096xi32>
    %xor3A_449 = arith.xori %bitcast_convert_type3A_448, %shift_left3A_427 : vector<14x4096xi32>
    %bitcast_convert_type3A_450 = tpu.bitcast %xor3A_449 : vector<14x4096xi32> -> vector<14x4096xf32>
    %mul3A_451 = arith.mulf %mul3A, %bitcast_convert_type3A_450 : vector<14x4096xf32>
    %reduce_sum3A_452 = arith.constant dense<0.000000e+00> : vector<14xf32>
    %reduce_sum3A_453 = vector.multi_reduction <add>, %mul3A_451, %reduce_sum3A_452 [1] : vector<14x4096xf32> to vector<14xf32>
    %broadcast_in_dim3A_454 = vector.shape_cast %reduce_sum3A_453 : vector<14xf32> to vector<14x1xf32>
    %get3A_455 = arith.constant 10 : index
    %get3A_456 = memref.load %arg0[%get3A_455] : memref<16xf32, #tpu.memory_space<smem>>
    %mul3A_457 = arith.constant 0.318309873 : f32
    %mul3A_458 = arith.mulf %get3A_456, %mul3A_457 : f32
    %get3A_459 = arith.constant 10 : index
    %get3A_460 = memref.load %arg1[%get3A_459] : memref<16xf32, #tpu.memory_space<smem>>
    %mul3A_461 = arith.constant 0.318309873 : f32
    %mul3A_462 = arith.mulf %get3A_460, %mul3A_461 : f32
    %mul3A_463 = vector.broadcast %mul3A_458 : f32 to vector<14x4096xf32>
    %mul3A_464 = arith.mulf %mul3A_463, %slice3A : vector<14x4096xf32>
    %add3A_465 = vector.broadcast %mul3A_462 : f32 to vector<14x4096xf32>
    %add3A_466 = arith.addf %mul3A_464, %add3A_465 : vector<14x4096xf32>
    %add3A_467 = arith.constant 0x4B400000 : f32
    %add3A_468 = vector.broadcast %add3A_467 : f32 to vector<14x4096xf32>
    %add3A_469 = arith.addf %add3A_466, %add3A_468 : vector<14x4096xf32>
    %bitcast_convert_type3A_470 = tpu.bitcast %add3A_469 : vector<14x4096xf32> -> vector<14x4096xi32>
    %and3A_471 = arith.constant 1 : i32
    %and3A_472 = vector.broadcast %and3A_471 : i32 to vector<14x4096xi32>
    %and3A_473 = arith.andi %bitcast_convert_type3A_470, %and3A_472 : vector<14x4096xi32>
    %shift_left3A_474 = arith.constant 31 : i32
    %shift_left3A_475 = vector.broadcast %shift_left3A_474 : i32 to vector<14x4096xi32>
    %shift_left3A_476 = arith.shli %and3A_473, %shift_left3A_475 : vector<14x4096xi32>
    %sub3A_477 = arith.constant 0x4B400000 : f32
    %sub3A_478 = vector.broadcast %sub3A_477 : f32 to vector<14x4096xf32>
    %sub3A_479 = arith.subf %add3A_469, %sub3A_478 : vector<14x4096xf32>
    %sub3A_480 = arith.subf %add3A_466, %sub3A_479 : vector<14x4096xf32>
    %mul3A_481 = arith.mulf %sub3A_480, %sub3A_480 : vector<14x4096xf32>
    %mul3A_482 = arith.constant -0.55715996 : f32
    %mul3A_483 = vector.broadcast %mul3A_482 : f32 to vector<14x4096xf32>
    %mul3A_484 = arith.mulf %mul3A_483, %mul3A_481 : vector<14x4096xf32>
    %add3A_485 = arith.constant 2.54287577 : f32
    %add3A_486 = vector.broadcast %add3A_485 : f32 to vector<14x4096xf32>
    %add3A_487 = arith.addf %mul3A_484, %add3A_486 : vector<14x4096xf32>
    %mul3A_488 = arith.mulf %add3A_487, %mul3A_481 : vector<14x4096xf32>
    %add3A_489 = arith.constant -5.16724825 : f32
    %add3A_490 = vector.broadcast %add3A_489 : f32 to vector<14x4096xf32>
    %add3A_491 = arith.addf %mul3A_488, %add3A_490 : vector<14x4096xf32>
    %mul3A_492 = arith.mulf %add3A_491, %mul3A_481 : vector<14x4096xf32>
    %add3A_493 = arith.constant 3.14158487 : f32
    %add3A_494 = vector.broadcast %add3A_493 : f32 to vector<14x4096xf32>
    %add3A_495 = arith.addf %mul3A_492, %add3A_494 : vector<14x4096xf32>
    %mul3A_496 = arith.mulf %sub3A_480, %add3A_495 : vector<14x4096xf32>
    %bitcast_convert_type3A_497 = tpu.bitcast %mul3A_496 : vector<14x4096xf32> -> vector<14x4096xi32>
    %xor3A_498 = arith.xori %bitcast_convert_type3A_497, %shift_left3A_476 : vector<14x4096xi32>
    %bitcast_convert_type3A_499 = tpu.bitcast %xor3A_498 : vector<14x4096xi32> -> vector<14x4096xf32>
    %mul3A_500 = arith.mulf %mul3A, %bitcast_convert_type3A_499 : vector<14x4096xf32>
    %reduce_sum3A_501 = arith.constant dense<0.000000e+00> : vector<14xf32>
    %reduce_sum3A_502 = vector.multi_reduction <add>, %mul3A_500, %reduce_sum3A_501 [1] : vector<14x4096xf32> to vector<14xf32>
    %broadcast_in_dim3A_503 = vector.shape_cast %reduce_sum3A_502 : vector<14xf32> to vector<14x1xf32>
    %get3A_504 = arith.constant 11 : index
    %get3A_505 = memref.load %arg0[%get3A_504] : memref<16xf32, #tpu.memory_space<smem>>
    %mul3A_506 = arith.constant 0.318309873 : f32
    %mul3A_507 = arith.mulf %get3A_505, %mul3A_506 : f32
    %get3A_508 = arith.constant 11 : index
    %get3A_509 = memref.load %arg1[%get3A_508] : memref<16xf32, #tpu.memory_space<smem>>
    %mul3A_510 = arith.constant 0.318309873 : f32
    %mul3A_511 = arith.mulf %get3A_509, %mul3A_510 : f32
    %mul3A_512 = vector.broadcast %mul3A_507 : f32 to vector<14x4096xf32>
    %mul3A_513 = arith.mulf %mul3A_512, %slice3A : vector<14x4096xf32>
    %add3A_514 = vector.broadcast %mul3A_511 : f32 to vector<14x4096xf32>
    %add3A_515 = arith.addf %mul3A_513, %add3A_514 : vector<14x4096xf32>
    %add3A_516 = arith.constant 0x4B400000 : f32
    %add3A_517 = vector.broadcast %add3A_516 : f32 to vector<14x4096xf32>
    %add3A_518 = arith.addf %add3A_515, %add3A_517 : vector<14x4096xf32>
    %bitcast_convert_type3A_519 = tpu.bitcast %add3A_518 : vector<14x4096xf32> -> vector<14x4096xi32>
    %and3A_520 = arith.constant 1 : i32
    %and3A_521 = vector.broadcast %and3A_520 : i32 to vector<14x4096xi32>
    %and3A_522 = arith.andi %bitcast_convert_type3A_519, %and3A_521 : vector<14x4096xi32>
    %shift_left3A_523 = arith.constant 31 : i32
    %shift_left3A_524 = vector.broadcast %shift_left3A_523 : i32 to vector<14x4096xi32>
    %shift_left3A_525 = arith.shli %and3A_522, %shift_left3A_524 : vector<14x4096xi32>
    %sub3A_526 = arith.constant 0x4B400000 : f32
    %sub3A_527 = vector.broadcast %sub3A_526 : f32 to vector<14x4096xf32>
    %sub3A_528 = arith.subf %add3A_518, %sub3A_527 : vector<14x4096xf32>
    %sub3A_529 = arith.subf %add3A_515, %sub3A_528 : vector<14x4096xf32>
    %mul3A_530 = arith.mulf %sub3A_529, %sub3A_529 : vector<14x4096xf32>
    %mul3A_531 = arith.constant -0.55715996 : f32
    %mul3A_532 = vector.broadcast %mul3A_531 : f32 to vector<14x4096xf32>
    %mul3A_533 = arith.mulf %mul3A_532, %mul3A_530 : vector<14x4096xf32>
    %add3A_534 = arith.constant 2.54287577 : f32
    %add3A_535 = vector.broadcast %add3A_534 : f32 to vector<14x4096xf32>
    %add3A_536 = arith.addf %mul3A_533, %add3A_535 : vector<14x4096xf32>
    %mul3A_537 = arith.mulf %add3A_536, %mul3A_530 : vector<14x4096xf32>
    %add3A_538 = arith.constant -5.16724825 : f32
    %add3A_539 = vector.broadcast %add3A_538 : f32 to vector<14x4096xf32>
    %add3A_540 = arith.addf %mul3A_537, %add3A_539 : vector<14x4096xf32>
    %mul3A_541 = arith.mulf %add3A_540, %mul3A_530 : vector<14x4096xf32>
    %add3A_542 = arith.constant 3.14158487 : f32
    %add3A_543 = vector.broadcast %add3A_542 : f32 to vector<14x4096xf32>
    %add3A_544 = arith.addf %mul3A_541, %add3A_543 : vector<14x4096xf32>
    %mul3A_545 = arith.mulf %sub3A_529, %add3A_544 : vector<14x4096xf32>
    %bitcast_convert_type3A_546 = tpu.bitcast %mul3A_545 : vector<14x4096xf32> -> vector<14x4096xi32>
    %xor3A_547 = arith.xori %bitcast_convert_type3A_546, %shift_left3A_525 : vector<14x4096xi32>
    %bitcast_convert_type3A_548 = tpu.bitcast %xor3A_547 : vector<14x4096xi32> -> vector<14x4096xf32>
    %mul3A_549 = arith.mulf %mul3A, %bitcast_convert_type3A_548 : vector<14x4096xf32>
    %reduce_sum3A_550 = arith.constant dense<0.000000e+00> : vector<14xf32>
    %reduce_sum3A_551 = vector.multi_reduction <add>, %mul3A_549, %reduce_sum3A_550 [1] : vector<14x4096xf32> to vector<14xf32>
    %broadcast_in_dim3A_552 = vector.shape_cast %reduce_sum3A_551 : vector<14xf32> to vector<14x1xf32>
    %get3A_553 = arith.constant 12 : index
    %get3A_554 = memref.load %arg0[%get3A_553] : memref<16xf32, #tpu.memory_space<smem>>
    %mul3A_555 = arith.constant 0.318309873 : f32
    %mul3A_556 = arith.mulf %get3A_554, %mul3A_555 : f32
    %get3A_557 = arith.constant 12 : index
    %get3A_558 = memref.load %arg1[%get3A_557] : memref<16xf32, #tpu.memory_space<smem>>
    %mul3A_559 = arith.constant 0.318309873 : f32
    %mul3A_560 = arith.mulf %get3A_558, %mul3A_559 : f32
    %mul3A_561 = vector.broadcast %mul3A_556 : f32 to vector<14x4096xf32>
    %mul3A_562 = arith.mulf %mul3A_561, %slice3A : vector<14x4096xf32>
    %add3A_563 = vector.broadcast %mul3A_560 : f32 to vector<14x4096xf32>
    %add3A_564 = arith.addf %mul3A_562, %add3A_563 : vector<14x4096xf32>
    %add3A_565 = arith.constant 0x4B400000 : f32
    %add3A_566 = vector.broadcast %add3A_565 : f32 to vector<14x4096xf32>
    %add3A_567 = arith.addf %add3A_564, %add3A_566 : vector<14x4096xf32>
    %bitcast_convert_type3A_568 = tpu.bitcast %add3A_567 : vector<14x4096xf32> -> vector<14x4096xi32>
    %and3A_569 = arith.constant 1 : i32
    %and3A_570 = vector.broadcast %and3A_569 : i32 to vector<14x4096xi32>
    %and3A_571 = arith.andi %bitcast_convert_type3A_568, %and3A_570 : vector<14x4096xi32>
    %shift_left3A_572 = arith.constant 31 : i32
    %shift_left3A_573 = vector.broadcast %shift_left3A_572 : i32 to vector<14x4096xi32>
    %shift_left3A_574 = arith.shli %and3A_571, %shift_left3A_573 : vector<14x4096xi32>
    %sub3A_575 = arith.constant 0x4B400000 : f32
    %sub3A_576 = vector.broadcast %sub3A_575 : f32 to vector<14x4096xf32>
    %sub3A_577 = arith.subf %add3A_567, %sub3A_576 : vector<14x4096xf32>
    %sub3A_578 = arith.subf %add3A_564, %sub3A_577 : vector<14x4096xf32>
    %mul3A_579 = arith.mulf %sub3A_578, %sub3A_578 : vector<14x4096xf32>
    %mul3A_580 = arith.constant -0.55715996 : f32
    %mul3A_581 = vector.broadcast %mul3A_580 : f32 to vector<14x4096xf32>
    %mul3A_582 = arith.mulf %mul3A_581, %mul3A_579 : vector<14x4096xf32>
    %add3A_583 = arith.constant 2.54287577 : f32
    %add3A_584 = vector.broadcast %add3A_583 : f32 to vector<14x4096xf32>
    %add3A_585 = arith.addf %mul3A_582, %add3A_584 : vector<14x4096xf32>
    %mul3A_586 = arith.mulf %add3A_585, %mul3A_579 : vector<14x4096xf32>
    %add3A_587 = arith.constant -5.16724825 : f32
    %add3A_588 = vector.broadcast %add3A_587 : f32 to vector<14x4096xf32>
    %add3A_589 = arith.addf %mul3A_586, %add3A_588 : vector<14x4096xf32>
    %mul3A_590 = arith.mulf %add3A_589, %mul3A_579 : vector<14x4096xf32>
    %add3A_591 = arith.constant 3.14158487 : f32
    %add3A_592 = vector.broadcast %add3A_591 : f32 to vector<14x4096xf32>
    %add3A_593 = arith.addf %mul3A_590, %add3A_592 : vector<14x4096xf32>
    %mul3A_594 = arith.mulf %sub3A_578, %add3A_593 : vector<14x4096xf32>
    %bitcast_convert_type3A_595 = tpu.bitcast %mul3A_594 : vector<14x4096xf32> -> vector<14x4096xi32>
    %xor3A_596 = arith.xori %bitcast_convert_type3A_595, %shift_left3A_574 : vector<14x4096xi32>
    %bitcast_convert_type3A_597 = tpu.bitcast %xor3A_596 : vector<14x4096xi32> -> vector<14x4096xf32>
    %mul3A_598 = arith.mulf %mul3A, %bitcast_convert_type3A_597 : vector<14x4096xf32>
    %reduce_sum3A_599 = arith.constant dense<0.000000e+00> : vector<14xf32>
    %reduce_sum3A_600 = vector.multi_reduction <add>, %mul3A_598, %reduce_sum3A_599 [1] : vector<14x4096xf32> to vector<14xf32>
    %broadcast_in_dim3A_601 = vector.shape_cast %reduce_sum3A_600 : vector<14xf32> to vector<14x1xf32>
    %get3A_602 = arith.constant 13 : index
    %get3A_603 = memref.load %arg0[%get3A_602] : memref<16xf32, #tpu.memory_space<smem>>
    %mul3A_604 = arith.constant 0.318309873 : f32
    %mul3A_605 = arith.mulf %get3A_603, %mul3A_604 : f32
    %get3A_606 = arith.constant 13 : index
    %get3A_607 = memref.load %arg1[%get3A_606] : memref<16xf32, #tpu.memory_space<smem>>
    %mul3A_608 = arith.constant 0.318309873 : f32
    %mul3A_609 = arith.mulf %get3A_607, %mul3A_608 : f32
    %mul3A_610 = vector.broadcast %mul3A_605 : f32 to vector<14x4096xf32>
    %mul3A_611 = arith.mulf %mul3A_610, %slice3A : vector<14x4096xf32>
    %add3A_612 = vector.broadcast %mul3A_609 : f32 to vector<14x4096xf32>
    %add3A_613 = arith.addf %mul3A_611, %add3A_612 : vector<14x4096xf32>
    %add3A_614 = arith.constant 0x4B400000 : f32
    %add3A_615 = vector.broadcast %add3A_614 : f32 to vector<14x4096xf32>
    %add3A_616 = arith.addf %add3A_613, %add3A_615 : vector<14x4096xf32>
    %bitcast_convert_type3A_617 = tpu.bitcast %add3A_616 : vector<14x4096xf32> -> vector<14x4096xi32>
    %and3A_618 = arith.constant 1 : i32
    %and3A_619 = vector.broadcast %and3A_618 : i32 to vector<14x4096xi32>
    %and3A_620 = arith.andi %bitcast_convert_type3A_617, %and3A_619 : vector<14x4096xi32>
    %shift_left3A_621 = arith.constant 31 : i32
    %shift_left3A_622 = vector.broadcast %shift_left3A_621 : i32 to vector<14x4096xi32>
    %shift_left3A_623 = arith.shli %and3A_620, %shift_left3A_622 : vector<14x4096xi32>
    %sub3A_624 = arith.constant 0x4B400000 : f32
    %sub3A_625 = vector.broadcast %sub3A_624 : f32 to vector<14x4096xf32>
    %sub3A_626 = arith.subf %add3A_616, %sub3A_625 : vector<14x4096xf32>
    %sub3A_627 = arith.subf %add3A_613, %sub3A_626 : vector<14x4096xf32>
    %mul3A_628 = arith.mulf %sub3A_627, %sub3A_627 : vector<14x4096xf32>
    %mul3A_629 = arith.constant -0.55715996 : f32
    %mul3A_630 = vector.broadcast %mul3A_629 : f32 to vector<14x4096xf32>
    %mul3A_631 = arith.mulf %mul3A_630, %mul3A_628 : vector<14x4096xf32>
    %add3A_632 = arith.constant 2.54287577 : f32
    %add3A_633 = vector.broadcast %add3A_632 : f32 to vector<14x4096xf32>
    %add3A_634 = arith.addf %mul3A_631, %add3A_633 : vector<14x4096xf32>
    %mul3A_635 = arith.mulf %add3A_634, %mul3A_628 : vector<14x4096xf32>
    %add3A_636 = arith.constant -5.16724825 : f32
    %add3A_637 = vector.broadcast %add3A_636 : f32 to vector<14x4096xf32>
    %add3A_638 = arith.addf %mul3A_635, %add3A_637 : vector<14x4096xf32>
    %mul3A_639 = arith.mulf %add3A_638, %mul3A_628 : vector<14x4096xf32>
    %add3A_640 = arith.constant 3.14158487 : f32
    %add3A_641 = vector.broadcast %add3A_640 : f32 to vector<14x4096xf32>
    %add3A_642 = arith.addf %mul3A_639, %add3A_641 : vector<14x4096xf32>
    %mul3A_643 = arith.mulf %sub3A_627, %add3A_642 : vector<14x4096xf32>
    %bitcast_convert_type3A_644 = tpu.bitcast %mul3A_643 : vector<14x4096xf32> -> vector<14x4096xi32>
    %xor3A_645 = arith.xori %bitcast_convert_type3A_644, %shift_left3A_623 : vector<14x4096xi32>
    %bitcast_convert_type3A_646 = tpu.bitcast %xor3A_645 : vector<14x4096xi32> -> vector<14x4096xf32>
    %mul3A_647 = arith.mulf %mul3A, %bitcast_convert_type3A_646 : vector<14x4096xf32>
    %reduce_sum3A_648 = arith.constant dense<0.000000e+00> : vector<14xf32>
    %reduce_sum3A_649 = vector.multi_reduction <add>, %mul3A_647, %reduce_sum3A_648 [1] : vector<14x4096xf32> to vector<14xf32>
    %broadcast_in_dim3A_650 = vector.shape_cast %reduce_sum3A_649 : vector<14xf32> to vector<14x1xf32>
    %get3A_651 = arith.constant 14 : index
    %get3A_652 = memref.load %arg0[%get3A_651] : memref<16xf32, #tpu.memory_space<smem>>
    %mul3A_653 = arith.constant 0.318309873 : f32
    %mul3A_654 = arith.mulf %get3A_652, %mul3A_653 : f32
    %get3A_655 = arith.constant 14 : index
    %get3A_656 = memref.load %arg1[%get3A_655] : memref<16xf32, #tpu.memory_space<smem>>
    %mul3A_657 = arith.constant 0.318309873 : f32
    %mul3A_658 = arith.mulf %get3A_656, %mul3A_657 : f32
    %mul3A_659 = vector.broadcast %mul3A_654 : f32 to vector<14x4096xf32>
    %mul3A_660 = arith.mulf %mul3A_659, %slice3A : vector<14x4096xf32>
    %add3A_661 = vector.broadcast %mul3A_658 : f32 to vector<14x4096xf32>
    %add3A_662 = arith.addf %mul3A_660, %add3A_661 : vector<14x4096xf32>
    %add3A_663 = arith.constant 0x4B400000 : f32
    %add3A_664 = vector.broadcast %add3A_663 : f32 to vector<14x4096xf32>
    %add3A_665 = arith.addf %add3A_662, %add3A_664 : vector<14x4096xf32>
    %bitcast_convert_type3A_666 = tpu.bitcast %add3A_665 : vector<14x4096xf32> -> vector<14x4096xi32>
    %and3A_667 = arith.constant 1 : i32
    %and3A_668 = vector.broadcast %and3A_667 : i32 to vector<14x4096xi32>
    %and3A_669 = arith.andi %bitcast_convert_type3A_666, %and3A_668 : vector<14x4096xi32>
    %shift_left3A_670 = arith.constant 31 : i32
    %shift_left3A_671 = vector.broadcast %shift_left3A_670 : i32 to vector<14x4096xi32>
    %shift_left3A_672 = arith.shli %and3A_669, %shift_left3A_671 : vector<14x4096xi32>
    %sub3A_673 = arith.constant 0x4B400000 : f32
    %sub3A_674 = vector.broadcast %sub3A_673 : f32 to vector<14x4096xf32>
    %sub3A_675 = arith.subf %add3A_665, %sub3A_674 : vector<14x4096xf32>
    %sub3A_676 = arith.subf %add3A_662, %sub3A_675 : vector<14x4096xf32>
    %mul3A_677 = arith.mulf %sub3A_676, %sub3A_676 : vector<14x4096xf32>
    %mul3A_678 = arith.constant -0.55715996 : f32
    %mul3A_679 = vector.broadcast %mul3A_678 : f32 to vector<14x4096xf32>
    %mul3A_680 = arith.mulf %mul3A_679, %mul3A_677 : vector<14x4096xf32>
    %add3A_681 = arith.constant 2.54287577 : f32
    %add3A_682 = vector.broadcast %add3A_681 : f32 to vector<14x4096xf32>
    %add3A_683 = arith.addf %mul3A_680, %add3A_682 : vector<14x4096xf32>
    %mul3A_684 = arith.mulf %add3A_683, %mul3A_677 : vector<14x4096xf32>
    %add3A_685 = arith.constant -5.16724825 : f32
    %add3A_686 = vector.broadcast %add3A_685 : f32 to vector<14x4096xf32>
    %add3A_687 = arith.addf %mul3A_684, %add3A_686 : vector<14x4096xf32>
    %mul3A_688 = arith.mulf %add3A_687, %mul3A_677 : vector<14x4096xf32>
    %add3A_689 = arith.constant 3.14158487 : f32
    %add3A_690 = vector.broadcast %add3A_689 : f32 to vector<14x4096xf32>
    %add3A_691 = arith.addf %mul3A_688, %add3A_690 : vector<14x4096xf32>
    %mul3A_692 = arith.mulf %sub3A_676, %add3A_691 : vector<14x4096xf32>
    %bitcast_convert_type3A_693 = tpu.bitcast %mul3A_692 : vector<14x4096xf32> -> vector<14x4096xi32>
    %xor3A_694 = arith.xori %bitcast_convert_type3A_693, %shift_left3A_672 : vector<14x4096xi32>
    %bitcast_convert_type3A_695 = tpu.bitcast %xor3A_694 : vector<14x4096xi32> -> vector<14x4096xf32>
    %mul3A_696 = arith.mulf %mul3A, %bitcast_convert_type3A_695 : vector<14x4096xf32>
    %reduce_sum3A_697 = arith.constant dense<0.000000e+00> : vector<14xf32>
    %reduce_sum3A_698 = vector.multi_reduction <add>, %mul3A_696, %reduce_sum3A_697 [1] : vector<14x4096xf32> to vector<14xf32>
    %broadcast_in_dim3A_699 = vector.shape_cast %reduce_sum3A_698 : vector<14xf32> to vector<14x1xf32>
    %get3A_700 = arith.constant 15 : index
    %get3A_701 = memref.load %arg0[%get3A_700] : memref<16xf32, #tpu.memory_space<smem>>
    %mul3A_702 = arith.constant 0.318309873 : f32
    %mul3A_703 = arith.mulf %get3A_701, %mul3A_702 : f32
    %get3A_704 = arith.constant 15 : index
    %get3A_705 = memref.load %arg1[%get3A_704] : memref<16xf32, #tpu.memory_space<smem>>
    %mul3A_706 = arith.constant 0.318309873 : f32
    %mul3A_707 = arith.mulf %get3A_705, %mul3A_706 : f32
    %mul3A_708 = vector.broadcast %mul3A_703 : f32 to vector<14x4096xf32>
    %mul3A_709 = arith.mulf %mul3A_708, %slice3A : vector<14x4096xf32>
    %add3A_710 = vector.broadcast %mul3A_707 : f32 to vector<14x4096xf32>
    %add3A_711 = arith.addf %mul3A_709, %add3A_710 : vector<14x4096xf32>
    %add3A_712 = arith.constant 0x4B400000 : f32
    %add3A_713 = vector.broadcast %add3A_712 : f32 to vector<14x4096xf32>
    %add3A_714 = arith.addf %add3A_711, %add3A_713 : vector<14x4096xf32>
    %bitcast_convert_type3A_715 = tpu.bitcast %add3A_714 : vector<14x4096xf32> -> vector<14x4096xi32>
    %and3A_716 = arith.constant 1 : i32
    %and3A_717 = vector.broadcast %and3A_716 : i32 to vector<14x4096xi32>
    %and3A_718 = arith.andi %bitcast_convert_type3A_715, %and3A_717 : vector<14x4096xi32>
    %shift_left3A_719 = arith.constant 31 : i32
    %shift_left3A_720 = vector.broadcast %shift_left3A_719 : i32 to vector<14x4096xi32>
    %shift_left3A_721 = arith.shli %and3A_718, %shift_left3A_720 : vector<14x4096xi32>
    %sub3A_722 = arith.constant 0x4B400000 : f32
    %sub3A_723 = vector.broadcast %sub3A_722 : f32 to vector<14x4096xf32>
    %sub3A_724 = arith.subf %add3A_714, %sub3A_723 : vector<14x4096xf32>
    %sub3A_725 = arith.subf %add3A_711, %sub3A_724 : vector<14x4096xf32>
    %mul3A_726 = arith.mulf %sub3A_725, %sub3A_725 : vector<14x4096xf32>
    %mul3A_727 = arith.constant -0.55715996 : f32
    %mul3A_728 = vector.broadcast %mul3A_727 : f32 to vector<14x4096xf32>
    %mul3A_729 = arith.mulf %mul3A_728, %mul3A_726 : vector<14x4096xf32>
    %add3A_730 = arith.constant 2.54287577 : f32
    %add3A_731 = vector.broadcast %add3A_730 : f32 to vector<14x4096xf32>
    %add3A_732 = arith.addf %mul3A_729, %add3A_731 : vector<14x4096xf32>
    %mul3A_733 = arith.mulf %add3A_732, %mul3A_726 : vector<14x4096xf32>
    %add3A_734 = arith.constant -5.16724825 : f32
    %add3A_735 = vector.broadcast %add3A_734 : f32 to vector<14x4096xf32>
    %add3A_736 = arith.addf %mul3A_733, %add3A_735 : vector<14x4096xf32>
    %mul3A_737 = arith.mulf %add3A_736, %mul3A_726 : vector<14x4096xf32>
    %add3A_738 = arith.constant 3.14158487 : f32
    %add3A_739 = vector.broadcast %add3A_738 : f32 to vector<14x4096xf32>
    %add3A_740 = arith.addf %mul3A_737, %add3A_739 : vector<14x4096xf32>
    %mul3A_741 = arith.mulf %sub3A_725, %add3A_740 : vector<14x4096xf32>
    %bitcast_convert_type3A_742 = tpu.bitcast %mul3A_741 : vector<14x4096xf32> -> vector<14x4096xi32>
    %xor3A_743 = arith.xori %bitcast_convert_type3A_742, %shift_left3A_721 : vector<14x4096xi32>
    %bitcast_convert_type3A_744 = tpu.bitcast %xor3A_743 : vector<14x4096xi32> -> vector<14x4096xf32>
    %mul3A_745 = arith.mulf %mul3A, %bitcast_convert_type3A_744 : vector<14x4096xf32>
    %reduce_sum3A_746 = arith.constant dense<0.000000e+00> : vector<14xf32>
    %reduce_sum3A_747 = vector.multi_reduction <add>, %mul3A_745, %reduce_sum3A_746 [1] : vector<14x4096xf32> to vector<14xf32>
    %broadcast_in_dim3A_748 = vector.shape_cast %reduce_sum3A_747 : vector<14xf32> to vector<14x1xf32>
    %concatenate3A = tpu.concatenate %broadcast_in_dim3A_18, %broadcast_in_dim3A_62, %broadcast_in_dim3A_111, %broadcast_in_dim3A_160, %broadcast_in_dim3A_209, %broadcast_in_dim3A_258, %broadcast_in_dim3A_307, %broadcast_in_dim3A_356, %broadcast_in_dim3A_405, %broadcast_in_dim3A_454, %broadcast_in_dim3A_503, %broadcast_in_dim3A_552, %broadcast_in_dim3A_601, %broadcast_in_dim3A_650, %broadcast_in_dim3A_699, %broadcast_in_dim3A_748 in 1 : vector<14x1xf32>, vector<14x1xf32>, vector<14x1xf32>, vector<14x1xf32>, vector<14x1xf32>, vector<14x1xf32>, vector<14x1xf32>, vector<14x1xf32>, vector<14x1xf32>, vector<14x1xf32>, vector<14x1xf32>, vector<14x1xf32>, vector<14x1xf32>, vector<14x1xf32>, vector<14x1xf32>, vector<14x1xf32> -> vector<14x16xf32>
    %add3A_749 = arith.constant 9.99999993E-9 : f32
    %add3A_750 = vector.broadcast %add3A_749 : f32 to vector<14x1xf32>
    %add3A_751 = arith.addf %broadcast_in_dim3A_7, %add3A_750 : vector<14x1xf32>
    %div3A = vector.broadcast %add3A_751 : vector<14x1xf32> to vector<14x16xf32>
    %div3A_752 = arith.divf %concatenate3A, %div3A : vector<14x16xf32>
    %tanh3A = math.tanh %div3A_752 : vector<14x16xf32>
    %broadcast_in_dim3A_753 = arith.constant 0.000000e+00 : f32
    %broadcast_in_dim3A_754 = vector.broadcast %broadcast_in_dim3A_753 : f32 to vector<2x16xf32>
    %concatenate3A_755 = tpu.concatenate %broadcast_in_dim3A_754, %tanh3A in 0 : vector<2x16xf32>, vector<14x16xf32> -> vector<16x16xf32>
    %swap3A = arith.constant 0 : index
    %swap3A_756 = arith.constant 0 : index
    %swap3A_757 = vector.load %arg3[%swap3A, %swap3A_756] : memref<16x16xf32, #tpu.memory_space<vmem>>, vector<16x16xf32>
    tpu.vector_store %arg3[%swap3A, %swap3A_756], %concatenate3A_755 {strides = array<i32>} : memref<16x16xf32, #tpu.memory_space<vmem>>, vector<16x16xf32>,
    return
  }
}

</mosaic_0001>

<sc_bundles>
// kernel: kernel.4.cloned.1.call-start
scs
__scs_entry_jumppad:
0x0: {  	(pc) =	sbr.rel $0x88, $3  }
0x1: {  	(tag) =	ssettag $0x0;
	lr =	simm.s32 $0x1  }
0x2: {  	[smem:$0x3F9E] =	sst lr;
	_ =	strace $0xD0000000  }
0x3: {  	_ = 	snop  }
0x4: {  	_ = 	snop  }
0x5: {  	_ = 	snop  }
0x6: {  	_ = 	snop  }
0x7: {  	_ = 	snop  }
__scs_overlays_trampoline_lowered:
0x8: {  	[smem:$0x3FAD] =	sst s0  }
0x9: {  	[smem:$0x3FAE] =	sst s1  }
0xa: {  	[smem:$0x3FAF] =	sst s2  }
0xb: {  	[smem:$0x3FB0] =	sst s3  }
0xc: {  	[smem:$0x3FB1] =	sst s4  }
0xd: {  	[smem:$0x3FB2] =	sst s5  }
0xe: {  	[smem:$0x3FB3] =	sst s6  }
0xf: {  	[smem:$0x3FB4] =	sst s7  }
0x10: {  	[smem:$0x3FB5] =	sst s8  }
0x11: {  	[smem:$0x3FB6] =	sst s9;
	s0 =	simm.s32 @!p0 $0x0  }
0x12: {  	s1 =	sld [smem:$0x3F9C];
	s0 =	simm.s32 @p0 $0x1  }
0x13: {  	[smem:$0x3FB7] =	sst s0;
	s0 =	simm.s32 @!p1 $0x0  }
0x14: {  	s2 =	sld [smem:$0x3F9B];
	s0 =	simm.s32 @p1 $0x1  }
0x15: {  	[smem:$0x3FB8] =	sst s0;
	s0 =	simm.s32 @!p2 $0x0  }
0x16: {  	s3 =	sld [smem:$0x3FDB];
	s0 =	simm.s32 @p2 $0x1  }
0x17: {  	s4 =	simm.s32 $0x1BF5;
	[smem:$0x3FBA] =	sst s0  }
0x18: {  	s0 =	sld [smem:$0x3F9D];
	_ =	swait.ge [sflag:s4], $0x0  }
0x19: {  	s7 =	sld [smem:$0x3F9E]  }
0x1a: {  	s8 =	sadd.s32 $0xFFFFE003, lr  }
0x1b: {  	s9 =	sadd.s32 $0xFFFFFEF7, lr;
	s5 =	simm.s32 $0xFFFFFFFF;
	p2 =	slt.u32 s8, $0xFFFFF086  }
0x1c: {  	p1 =	slt.u32 s9, $0xF7A;
	s5 =	simm.s32 @!p2 $0x0  }
0x1d: {  	s5 =	simm.s32 @p1 $0x1;
	p0 =	seq.s32 s7, s2  }
0x1e: {  	s7 =	smul.u32 @!p0 $0xF7A, s2;
	p2 =	seq.s32 @!p0 s5, $0x0  }
0x1f: {  	s9 =	smul.u32 $0xF7A, s1;
	s8 =	simm.s32 @!p0 $0x1BF5;
	p2 =	por !p2, p0  }
0x20: {  	[sflag:s8] =	ssyncset.s32 @!p0 $0xFFFFF086;
	s6 =	sadd.s32 @!p0 s3, s7;
	s7 =	simm.s32 @!p0 $0x108  }
0x21: {  	s3 =	sadd.s32 s3, s9;
	s6 =	sadd.s32 @!p0 $0x88, s6;
	s7 =	simm.s32 @p2 $0x1082  }
0x22: {  	[simem:s7], [sflag:s8] =	dma.local @!p0 [hbm:s6], $0xF7A  }
0x23: {  	s9 =	sor.u32 $0xD0000000, s2;
	s6 =	simm.s32 $0x108;
	_ =	swait.ge @!p0 [sflag:s8], $0x0  }
0x24: {  	s3 =	sadd.s32 $0x88, s3;
	s6 =	simm.s32 @!p1 $0x1082;
	[sflag:s4] =	ssyncset.s32 $0xFFFFF086  }
0x25: {  	[simem:s6], [sflag:s4] =	dma.local [hbm:s3], $0xF7A  }
0x26: {  	[smem:$0x3F9E] =	sst s1;
	(tag) =	ssettag s2;
	_ =	strace s9  }
0x27: {  	s1 =	sld [smem:$0x3FAE]  }
0x28: {  	s2 =	sld [smem:$0x3FAF]  }
0x29: {  	s4 =	sld [smem:$0x3FB1]  }
0x2a: {  	p0 =	seq.s32 s5, $0x0;
	s5 =	sld [smem:$0x3FB2]  }
0x2b: {  	s6 =	sld [smem:$0x3FB3]  }
0x2c: {  	s7 =	sld [smem:$0x3FB4]  }
0x2d: {  	s3 =	simm.s32 $0x108;
	s8 =	sld [smem:$0x3FB5]  }
0x2e: {  	s3 =	simm.s32 @!p0 $0x1082;
	s9 =	sld [smem:$0x3FB6]  }
0x2f: {  	lr =	sadd.s32 s0, s3;
	s0 =	sld [smem:$0x3FAD]  }
0x30: {  	s3 =	sld [smem:$0x3FB0]  }
0x31: {  	[smem:$0x3FB9] =	sst s10  }
0x32: {  	s10 =	sld [smem:$0x3FB7];
	_ =	sdelay $0x3  }
0x33: {  	p0 =	seq.s32 s10, $0x1;
	s10 =	sld [smem:$0x3FB9];
	_ =	sdelay $0x3  }
0x34: {  	[smem:$0x3FB9] =	sst s10  }
0x35: {  	s10 =	sld [smem:$0x3FB8];
	_ =	sdelay $0x3  }
0x36: {  	p1 =	seq.s32 s10, $0x1;
	s10 =	sld [smem:$0x3FB9];
	_ =	sdelay $0x3  }
0x37: {  	[smem:$0x3FB9] =	sst s10  }
0x38: {  	s10 =	sld [smem:$0x3FBA]  }
0x39: {  	_ = 	snop;
	(pc) =	sbr.ind lr, $3  }
0x3a: {  	_ = 	snop  }
0x3b: {  	_ = 	snop  }
0x3c: {  	p2 =	seq.s32 s10, $0x1;
	s10 =	sld [smem:$0x3FB9]  }
0x3d: {  	_ =	shalt  }
0x3e: {  	_ =	shalt  }
0x3f: {  	_ =	shalt  }
0x40: {  	_ =	shalt  }
0x41: {  	_ =	shalt  }
0x42: {  	_ =	shalt  }
0x43: {  	_ =	shalt  }
0x44: {  	_ =	shalt  }
0x45: {  	_ =	shalt  }
0x46: {  	_ =	shalt  }
0x47: {  	_ =	shalt  }
0x48: {  	_ =	shalt  }
0x49: {  	_ =	shalt  }
0x4a: {  	_ =	shalt  }
0x4b: {  	_ =	shalt  }
0x4c: {  	_ =	shalt  }
0x4d: {  	_ =	shalt  }
0x4e: {  	_ =	shalt  }
0x4f: {  	_ =	shalt  }
0x50: {  	_ =	shalt  }
0x51: {  	_ =	shalt  }
0x52: {  	_ =	shalt  }
0x53: {  	_ =	shalt  }
0x54: {  	_ =	shalt  }
0x55: {  	_ =	shalt  }
0x56: {  	_ =	shalt  }
0x57: {  	_ =	shalt  }
0x58: {  	_ =	shalt  }
0x59: {  	_ =	shalt  }
0x5a: {  	_ =	shalt  }
0x5b: {  	_ =	shalt  }
0x5c: {  	_ =	shalt  }
0x5d: {  	_ =	shalt  }
0x5e: {  	_ =	shalt  }
0x5f: {  	_ =	shalt  }
0x60: {  	_ =	shalt  }
0x61: {  	_ =	shalt  }
0x62: {  	_ =	shalt  }
0x63: {  	_ =	shalt  }
0x64: {  	_ =	shalt  }
0x65: {  	_ =	shalt  }
0x66: {  	_ =	shalt  }
0x67: {  	_ =	shalt  }
0x68: {  	_ =	shalt  }
0x69: {  	_ =	shalt  }
0x6a: {  	_ =	shalt  }
0x6b: {  	_ =	shalt  }
0x6c: {  	_ =	shalt  }
0x6d: {  	_ =	shalt  }
0x6e: {  	_ =	shalt  }
0x6f: {  	_ =	shalt  }
0x70: {  	_ =	shalt  }
0x71: {  	_ =	shalt  }
0x72: {  	_ =	shalt  }
0x73: {  	_ =	shalt  }
0x74: {  	_ =	shalt  }
0x75: {  	_ =	shalt  }
0x76: {  	_ =	shalt  }
0x77: {  	_ =	shalt  }
0x78: {  	_ =	shalt  }
0x79: {  	_ =	shalt  }
0x7a: {  	_ =	shalt  }
0x7b: {  	_ =	shalt  }
0x7c: {  	_ =	shalt  }
0x7d: {  	_ =	shalt  }
0x7e: {  	_ =	shalt  }
0x7f: {  	_ =	shalt  }
0x80: {  	_ =	shalt  }
0x81: {  	_ =	shalt  }
0x82: {  	_ =	shalt  }
0x83: {  	_ =	shalt  }
0x84: {  	_ =	shalt  }
0x85: {  	_ =	shalt  }
0x86: {  	_ =	shalt  }
0x87: {  	_ =	shalt  }
.Lfunc_end0:
.L_simem_size_0:
called_computation_lowered:
.L_overlay_start_0:
0x88: {  	s2 =	sld [smem:$0x3FD9]  }
0x89: {  	s3 =	sld [smem:$0x3FFE];
	_ =	sdelay $0x1  }
0x8a: {  	s1 =	srdreg.scid  }
0x8b: {  	s0 =	sand.u32 $0x1, s1  }
0x8c: {  	s17 =	sshll.u32 s0, $0xA;
	s2 =	sadd.s32 s3, s2  }
0x8d: {  	s2 =	sadd.s32 s2, s17  }
0x8e: {  	[smem:$0x3FC5] =	sst s2  }
0x8f: {  	_ = 	snop  }
0x90: {  	s2 =	sld [smem:$0x3FC9]  }
0x91: {  	s18 =	sld [smem:$0x3FC8]  }
0x92: {  	s4 =	sld [smem:$0x3FC7];
	(tm) =	ssettm $0x1  }
0x93: {  	s5 =	sld [smem:$0x3FFB];
	_ =	sdelay $0x3  }
0x94: {  	_ =	strace s5  }
0x95: {  	s5 =	sld [smem:$0x3FFC];
	_ =	sdelay $0x3  }
0x96: {  	_ =	strace s5  }
0x97: {  	s5 =	sld [smem:$0x3FFD];
	_ =	sdelay $0x3  }
0x98: {  	_ =	strace s5  }
0x99: {  	_ =	strace $0x8FFFFFFF  }
0x9a: {  	s19 =	sld [smem:$0x3FDB];
	_ =	sdelay $0x1  }
0x9b: {  	s6 =	simm.s32 $_scs_section_size  }
0x9c: {  	s7 =	simm.s32 $_size__tile_overlayer_lowered;
	s8 =	simm.s32 $_tile_overlayer_lowered  }
0x9d: {  	s22 =	simm.s32 $0x1BFF;
	s21 =	sshll.u32 s8, $0x1;
	s5 =	sadd.s32 s6, s19  }
0x9e: {  	s9 =	simm.s32 $0x0;
	s20 =	sshll.u32 s7, $0x1;
	s7 =	sadd.s32 s21, s5  }
0x9f: {  	[timem:s9], [sflag:s22] =	dma.local [hbm:s7], s20  }
0xa0: {  	_ =	swait.ge [sflag:s22], s20  }
0xa1: {  	s6 =	ssub.s32 $0x0, s20;
	[sflag:s22] =	ssyncset.done $0x0  }
0xa2: {  	[sflag:s22] =	ssyncadd.s32 s6;
	_ =	sdelay $0x1  }
0xa3: {  	s23 =	simm.s32 $0x1B8B  }
0xa4: {  	_ =	swait.ge [sflag:s23], $0x1  }
0xa5: {  	[sflag:s23] =	ssyncset.done $0x0  }
0xa6: {  	s25 =	simm.s32 $0x1B8E;
	s24 =	sld [smem:$0x3FFE];
	[sflag:s23] =	ssyncadd.s32 $0xFFFFFFFF  }
0xa7: {  	s26 =	simm.s32 $execute0_lowered;
	[smem:$0x3FD2] =	sst s25  }
0xa8: {  	s7 =	sshll.u32 s26, $0x1;
	_ =	strace $0x80000046;
	[dreg:$0x1] =	wrdreg $0xFFFFFFFF  }
0xa9: {  	s28 =	simm.s32 $_size_execute0_lowered;
	s5 =	sadd.s32 s5, s7;
	[dreg:$0x0] =	wrdreg $0x0  }
0xaa: {  	s7 =	sshll.u32 s28, $0x1;
	[dreg:$0x2] =	wrdreg s5  }
0xab: {  	[dreg:$0x3] =	wrdreg s7  }
0xac: {  	[dreg:$0x4] =	wrdreg $0xC0  }
0xad: {  	_ =	task [dreg:s9], $0x5FFFF  }
0xae: {  	[dreg:$0x1] =	wrdreg $0xFFFFFFFF  }
0xaf: {  	[dreg:$0x0] =	wrdreg $0x60  }
0xb0: {  	[dreg:$0x2] =	wrdreg s2  }
0xb1: {  	[dreg:$0x3] =	wrdreg s18  }
0xb2: {  	[dreg:$0x4] =	wrdreg s4  }
0xb3: {  	[dreg:$0x5] =	wrdreg s24  }
0xb4: {  	[dreg:$0x6] =	wrdreg $0x9  }
0xb5: {  	_ =	task.clear_ibuf [dreg:s9], $0x7FFFF;
	_ =	strace $0x90000046  }
0xb6: {  	s29 =	simm.s32 $0x9;
	_ =	strace $0x80000048  }
0xb7: {  	_ =	swait.ge [sflag:s29], $0x1  }
0xb8: {  	[sflag:s29] =	ssyncadd.s32 $0xFFFFFFFF  }
0xb9: {  	_ =	strace $0x90000048  }
0xba: {  	_ =	sfence  }
0xbb: {  	s30 =	sld [smem:$0x0];
	_ =	sdelay $0x2  }
0xbc: {  	s31 =	sshll.u32 s1, $0xD;
	s1 =	sshrl.u32 s1, $0x2  }
0xbd: {  	s3 =	sand.u32 $0x4000, s31;
	s1 =	sadd.s32 s1, s30  }
0xbe: {  	s0 =	sor.u32 s3, s0;
	s1 =	sshll.u32 s1, $0x11  }
0xbf: {  	s0 =	sor.u32 s1, s0  }
0xc0: {  	s0 =	sadd.s32 $0x8F2B, s0  }
0xc1: {  	[sflag:s0] =	ssyncadd.remote.s32 $0x1  }
0xc2: {  	_ =	sfence.sel $0xFFFF  }
0xc3: {  	[dreg:$0x0] =	wrdreg $0xFFFFFFFF;
	(pc) =	sbr.abs _section_cstart, $3  }
0xc4: {  	[dreg:$0x1] =	wrdreg $0xFFFFFFFF  }
0xc5: {  	_ =	task.clear_ibuf [dreg:s9], $0x2FFFF;
	_ =	strace $0x9FFFFFFF  }
0xc6: {  	(tm) =	ssettm $0x7FFFFFFF  }
0xc7: {  	_ =	shalt  }
tec
execute0_lowered:
.L_overlay_start_1:
0x0: {  	(tag) =	ssettag $0x1  }
0x1: {  	s5 =	rddreg [dreg:$0x0]  }
0x2: {  	v0 =	vimm.s32 $0xEFCDAB89;
	s0 =	rddreg [dreg:$0x1];
	v2 =	vimm.s32 $0xDCFE98BA;
	v4 =	vlaneseq.u32  }
0x3: {  	s2 =	rddreg [dreg:$0x2];
	v5 =	vimm.s32 $0x54761032;
	v6 =	vimm.s32 $0xBA98FEDC;
	v7 =	vimm.s32 $0x32107654  }
0x4: {  	s6 =	rddreg [dreg:$0x3];
	v8 =	vimm.s32 $0xFEDCBA98;
	v9 =	vimm.s32 $0x76543210;
	v1 =	vunpack.c.l.s4.s8 v0  }
0x5: {  	s1 =	stileid.u32;
	s3 =	rddreg [dreg:$0x4];
	s4 =	simm.s32 $0x0;
	v0 =	vimm.s32 $0x67452301;
	v2 =	vunpack.c.l.s4.s8 v2;
	v5 =	vunpack.c.l.s4.s8 v5  }
0x6: {  	s7 =	srdreg.scid;
	s11 =	simm.s32 $0x2080;
	s12 =	simm.s32 $0x1;
	v6 =	vunpack.c.l.s4.s8 v6;
	v7 =	vunpack.c.l.s4.s8 v7;
	v8 =	vunpack.c.l.s4.s8 v8  }
0x7: {  	s13 =	simm.s32 $0x2100;
	s14 =	simm.s32 $0x2;
	s15 =	simm.s32 $0x0;
	v9 =	vunpack.c.l.s4.s8 v9;
	v3 =	vunpack.c.l.s4.s8 v0;
	v0 =	vmov s1  }
0x8: {  	[smem:$0x7FF] =	sst s4;
	s7 =	sand.u32 $0x1, s7;
	s8 =	sshll.u32 s1, $0x4;
	v1 =	vunpack.c.0.s8.s32 v1;
	v6 =	vunpack.c.0.s8.s32 v6;
	v7 =	vunpack.c.0.s8.s32 v7  }
0x9: {  	p0 =	seq.s32 s1, $0x0;
	_ =	strace $0x80000047;
	s9 =	ssub.s32 $0x2, s7;
	v2 =	vunpack.c.0.s8.s32 v2;
	v5 =	vunpack.c.0.s8.s32 v5;
	v3 =	vunpack.c.0.s8.s32 v3  }
0xa: {  	s6 =	sadd.s32 s8, s6;
	s10 =	sshll.u32 s7, $0x8;
	s7 =	sshll.u32 s7, $0x4;
	vm0 =	veq.s32 v0, v4;
	v4 =	vunpack.c.0.s8.s32 v8;
	v6 =	vcombine.low v7, v6  }
0xb: {  	s31 =	sshrl.u32 s9, $0x1;
	s6 =	sadd.s32 s10, s6;
	s5 =	sadd.s32 s5, s7;
	v5 =	vcombine.low v5, v2;
	v7 =	vunpack.c.0.s8.s32 v9;
	v3 =	vcombine.low v3, v1  }
0xc: {  	s10 =	simm.s32 $0x2000;
	s8 =	ssub.s32 s9, s31;
	s6 =	sadd.s32 $0x600, s6;
	v8 =	vand.u32 $0xF, v4;
	v1 =	vimm.f32 $0.0e+00;
	v4 =	vand.u32 $0xF, v6  }
0xd: {  	s9 =	simm.s32 $0x400;
	s7 =	smax.u32 s8, $0x1;
	s8 =	simm.s32 $0x80;
	v2 =	vand.u32 $0xF, v3;
	v3 =	vand.u32 $0xF, v5;
	v5 =	vcombine.low v8, v7  }
.LBB2_1:
0xe: {  	[tilespmem:s4], [sflag:$0x1] =	stream.strided.gather [hbm4b:s5+s8], $0x1000, s9, s8, $0x38;
	[tilespmem:$0x2180] =	vst v63  }
0xf: {  	_ = 	snop  }
0x10: {  	[tilespmem:s10], [sflag:$0x1] =	stream.linear.gather [hbm4b:s0+s4], $0x80, $0x38;
	[tilespmem:$0x2180] =	vst v63  }
0x11: {  	_ = 	snop  }
0x12: {  	[tilespmem:s11], [sflag:$0x1] =	stream.linear.gather [hbm4b:s2+s4], $0x80, $0x38;
	[tilespmem:$0x2180] =	vst v63  }
0x13: {  	_ =	swait.ge [sflag:s12], $0x1000  }
0x14: {  	[sflag:s12] =	ssyncset.done $0x0  }
0x15: {  	s16 =	simm.s32 $0x0;
	[sflag:s12] =	ssyncadd.s32 $0xFFFFF000  }
0x16: {  	v6 =	vld [tilespmem:s16+$0x0];
	_ =	sdelay $0x4  }
0x17: {  	v7 =	vmul.f32 $1.442695020e+00, v6  }
0x18: {  	s17 =	simm.s32 $0x10  }
0x19: {  	(erf) = vpow2.f32 v7;
	v7 =	vld [tilespmem:s17+$0x0];
	_ =	sdelay $0x4  }
0x1a: {  	s18 =	simm.s32 $0x20;
	v9 =	vmul.f32 $1.442695020e+00, v7  }
0x1b: {  	v8 =	vld [tilespmem:s18+$0x0]  }
0x1c: {  	(erf) = vpow2.f32 v9  }
0x1d: {  	vm1 =	vlt.f32 v6, $0.0e+00;
	vm2 =	vgt.f32 v6, $0.0e+00  }
0x1e: {  	vm1 =	vmor vm2, vm1  }
0x1f: {  	s19 =	simm.s32 $0xC0;
	v6 =	vimm.f32 $0.0e+00;
	v9 =	vsel vm1, $0x3F800000, v1;
	v10 =	vpop (erf)  }
.LBB2_2:
0x20: {  	s20 =	sshra.s32 s19, $0x2;
	p1 =	sne.s32 s19, $0x3FC0;
	s19 =	sadd.s32 $0x40, s19;
	v11 =	vmul.f32 $1.442695020e+00, v8;
	v9 =	vmul.f32 v9, v10;
	v10 =	vmov v8  }
.Ltmp0:
0x21: {  	v8 =	vld [tilespmem:s20+$0x0];
	(pc) =	sbr.rel @p1 .LBB2_2-.Ltmp0, $4  }
0x22: {  	(erf) = vpow2.f32 v11;
	[tilespmem:s16+$0x1000] =	vst v9;
	v6 =	vadd.f32 v9, v6;
	s16 =	smov.u32 s17;
	s17 =	smov.u32 s18;
	s18 =	smov.u32 s20  }
0x23: {  	vm1 =	vlt.f32 v7, $0.0e+00;
	vm2 =	vgt.f32 v7, $0.0e+00;
	v7 =	vmov v10  }
0x24: {  	vm1 =	vmor vm2, vm1  }
0x25: {  	v9 =	vsel vm1, $0x3F800000, v1;
	v10 =	vpop (erf)  }
0x26: {  	v11 =	vmul.f32 $1.442695020e+00, v8;
	_ =	sdelay $0x1  }
0x27: {  	(erf) = vpow2.f32 v11;
	_ =	sdelay $0x5  }
0x28: {  	vm1 =	vlt.f32 v7, $0.0e+00;
	vm2 =	vgt.f32 v7, $0.0e+00  }
0x29: {  	vm3 =	vgt.f32 v8, $0.0e+00;
	vm1 =	vmor vm2, vm1;
	vm2 =	vlt.f32 v8, $0.0e+00  }
0x2a: {  	v8 =	vmul.f32 v9, v10;
	v7 =	vsel vm1, $0x3F800000, v1;
	vm1 =	vmor vm3, vm2;
	v9 =	vpop (erf)  }
0x2b: {  	v7 =	vmul.f32 v7, v9;
	v9 =	vsel vm1, $0x3F800000, v1;
	v10 =	vpop (erf)  }
0x2c: {  	[tilespmem:s16+$0x1000] =	vst v8;
	v9 =	vmul.f32 v9, v10  }
0x2d: {  	[tilespmem:s17+$0x1000] =	vst v7  }
0x2e: {  	[tilespmem:s18+$0x1000] =	vst v9  }
0x2f: {  	_ =	swait.ge [sflag:s12], $0x80  }
0x30: {  	[sflag:s12] =	ssyncset.done $0x0  }
0x31: {  	[sflag:s12] =	ssyncadd.s32 $0xFFFFFF80  }
0x32: {  	_ =	swait.ge [sflag:s12], $0x80  }
0x33: {  	[sflag:s12] =	ssyncset.done $0x0  }
0x34: {  	[sflag:s12] =	ssyncadd.s32 $0xFFFFFF80  }
0x35: {  	v16 =	vld [tilespmem:$0x2000];
	_ =	sdelay $0x1  }
0x36: {  	v18 =	vld [tilespmem:$0x2080]  }
0x37: {  	s19 =	simm.s32 $0x0  }
0x38: {  	v19 =	vld [tilespmem:s19+$0x0]  }
0x39: {  	v10 =	vmul.f32 $3.183098730e-01, v16;
	_ =	sdelay $0x1  }
0x3a: {  	v11 =	vmul.f32 $3.183098730e-01, v18;
	v14 =	vperm.xlane v10, v0;
	_ =	sdelay $0x1  }
0x3b: {  	v13 =	vperm.xlane v11, v0;
	v10 =	vmul.f32 v19, v14  }
0x3c: {  	s21 =	simm.s32 $0x10  }
0x3d: {  	v23 =	vld [tilespmem:s21+$0x0];
	v10 =	vadd.f32 v10, v13;
	_ =	sdelay $0x1  }
0x3e: {  	v20 =	vadd.f32 $1.258291200e+07, v10;
	_ =	sdelay $0x1  }
0x3f: {  	v11 =	vadd.f32 $-1.258291200e+07, v20  }
0x40: {  	v12 =	vmul.f32 v23, v14  }
0x41: {  	s18 =	simm.s32 $0x20;
	v21 =	vsub.f32 v10, v11  }
0x42: {  	v11 =	vld [tilespmem:s18+$0x0];
	v10 =	vadd.f32 v12, v13  }
0x43: {  	v22 =	vmul.f32 v21, v21  }
0x44: {  	v15 =	vadd.f32 $1.258291200e+07, v10  }
0x45: {  	v12 =	vmul.f32 $-5.571599600e-01, v22  }
0x46: {  	v17 =	vadd.f32 $-1.258291200e+07, v15  }
0x47: {  	v24 =	vmul.f32 v11, v14;
	v12 =	vadd.f32 $2.542875770e+00, v12  }
0x48: {  	s16 =	simm.s32 $0x30;
	v17 =	vsub.f32 v10, v17  }
0x49: {  	v10 =	vld [tilespmem:s16+$0x0];
	v24 =	vadd.f32 v24, v13;
	v25 =	vmul.f32 v12, v22  }
0x4a: {  	v6 =	vadd.f32 v8, v6;
	v26 =	vmul.f32 v17, v17  }
0x4b: {  	v12 =	vadd.f32 $1.258291200e+07, v24;
	v8 =	vadd.f32 $-5.167248250e+00, v25  }
0x4c: {  	v25 =	vadd.f32 v7, v6;
	v27 =	vmul.f32 $-5.571599600e-01, v26  }
0x4d: {  	v7 =	vperm.xlane v16, v0;
	v16 =	vadd.f32 $-1.258291200e+07, v12;
	v8 =	vmul.f32 v8, v22  }
0x4e: {  	v6 =	vperm.xlane v18, v0;
	v22 =	vmul.f32 v10, v14;
	v27 =	vadd.f32 $2.542875770e+00, v27  }
0x4f: {  	s17 =	simm.s32 $0x40;
	v28 =	vld [tilespmem:s19+$0x1000];
	v18 =	vsub.f32 v24, v16;
	v16 =	vmul.f32 v19, v7;
	v24 =	vadd.f32 $3.141584870e+00, v8  }
0x50: {  	v8 =	vadd.f32 v9, v25;
	v9 =	vld [tilespmem:s17+$0x0];
	v29 =	vadd.f32 v22, v13;
	v22 =	vmul.f32 v27, v26  }
0x51: {  	v19 =	vmul.f32 v18, v18;
	v25 =	vadd.f32 v16, v6;
	v21 =	vmul.f32 v24, v21  }
0x52: {  	v20 =	vshll.u32 v20, $0x1F;
	v16 =	vadd.f32 $1.258291200e+07, v29;
	v24 =	vadd.f32 $-5.167248250e+00, v22  }
0x53: {  	v23 =	vmul.f32 v23, v7;
	v30 =	vmul.f32 $-5.571599600e-01, v19;
	v20 =	vxor.u32 v21, v20  }
0x54: {  	v21 =	vadd.f32 $-1.258291200e+07, v16;
	v26 =	vmul.f32 v24, v26;
	v20 =	vpsel p0, v25, v20  }
0x55: {  	v27 =	vmul.f32 v9, v14;
	v24 =	vadd.f32 $2.542875770e+00, v30;
	v25 =	vmul.f32 v20, v28  }
0x56: {  	s20 =	simm.s32 $0x180;
	s19 =	simm.s32 $0x50;
	v22 =	vimm.f32 $0.0e+00;
	v20 =	vsub.f32 v29, v21;
	v21 =	vld [tilespmem:s21+$0x1000];
	v26 =	vadd.f32 $3.141584870e+00, v26  }
.LBB2_4:
0x57: {  	p1 =	sne.s32 s20, $0x3FC0;
	v28 =	vadd.f32 v27, v13;
	v24 =	vmul.f32 v24, v19;
	v22 =	vadd.f32 v25, v22;
	v29 =	vmovc v9;
	v9 =	vld [tilespmem:s19+$0x0];
	s21 =	smov.u32 s16;
	s16 =	smov.u32 s17  }
0x58: {  	s17 =	smov.u32 s19;
	v25 =	vmul.f32 v20, v20;
	v23 =	vadd.f32 v23, v6;
	v26 =	vmul.f32 v26, v17;
	v17 =	vmovc v18  }
.Ltmp1:
0x59: {  	v27 =	vshll.u32 v15, $0x1F;
	v15 =	vmovc v12;
	v12 =	vmovc v16;
	v24 =	vadd.f32 $-5.167248250e+00, v24;
	v16 =	vadd.f32 $1.258291200e+07, v28;
	(pc) =	sbr.rel @p1 .LBB2_4-.Ltmp1, $4  }
0x5a: {  	v18 =	vmov v20;
	v30 =	vmul.f32 $-5.571599600e-01, v25;
	v26 =	vxor.u32 v26, v27  }
0x5b: {  	v20 =	vadd.f32 $-1.258291200e+07, v16;
	v31 =	vmul.f32 v24, v19;
	v23 =	vpsel p0, v23, v26;
	v19 =	vmovc v25  }
0x5c: {  	v27 =	vmul.f32 v9, v14;
	v24 =	vadd.f32 $2.542875770e+00, v30;
	v25 =	vmul.f32 v23, v21  }
0x5d: {  	s19 =	sshra.s32 s20, $0x2;
	s20 =	sadd.s32 $0x40, s20;
	v23 =	vmul.f32 v11, v7;
	v11 =	vmovc v10;
	v10 =	vmovc v29;
	v20 =	vsub.f32 v28, v20;
	v21 =	vld [tilespmem:s18+$0x1000];
	v26 =	vadd.f32 $3.141584870e+00, v31;
	s18 =	smov.u32 s21  }
0x5e: {  	v28 =	vld [tilespmem:s19+$0x0];
	_ =	sdelay $0x4  }
0x5f: {  	v27 =	vadd.f32 v27, v13;
	v14 =	vmul.f32 v28, v14;
	_ =	sdelay $0x1  }
0x60: {  	v30 =	vadd.f32 $1.258291200e+07, v27;
	v35 =	vadd.f32 v14, v13  }
0x61: {  	v22 =	vadd.f32 v25, v22;
	v29 =	vmul.f32 v20, v20  }
0x62: {  	v36 =	vmul.f32 v24, v19;
	v38 =	vadd.f32 $-1.258291200e+07, v30;
	v31 =	vadd.f32 $1.258291200e+07, v35  }
0x63: {  	v15 =	vshll.u32 v15, $0x1F;
	v11 =	vmul.f32 v11, v7;
	v37 =	vmul.f32 $-5.571599600e-01, v29  }
0x64: {  	v12 =	vshll.u32 v12, $0x1F;
	v25 =	vsub.f32 v27, v38;
	v39 =	vadd.f32 $-1.258291200e+07, v31  }
0x65: {  	v10 =	vmul.f32 v10, v7;
	v24 =	vadd.f32 $2.542875770e+00, v37;
	v14 =	vadd.f32 $-5.167248250e+00, v36  }
0x66: {  	v56 =	vperm.xlane v8, v2;
	v42 =	vmul.f32 v25, v25;
	v13 =	vsub.f32 v35, v39  }
0x67: {  	v16 =	vshll.u32 v16, $0x1F;
	v41 =	vmul.f32 v24, v29;
	v14 =	vmul.f32 v14, v19  }
0x68: {  	v40 =	vadd.f32 v23, v6;
	v44 =	vmul.f32 $-5.571599600e-01, v42;
	v45 =	vmul.f32 v13, v13  }
0x69: {  	v17 =	vmul.f32 v26, v17;
	v11 =	vadd.f32 v11, v6;
	v43 =	vadd.f32 $-5.167248250e+00, v41  }
0x6a: {  	v14 =	vadd.f32 $3.141584870e+00, v14;
	v47 =	vadd.f32 $2.542875770e+00, v44;
	v48 =	vmul.f32 $-5.571599600e-01, v45  }
0x6b: {  	v10 =	vadd.f32 v10, v6;
	v15 =	vxor.u32 v17, v15;
	v17 =	vmul.f32 v43, v29  }
0x6c: {  	v46 =	vld [tilespmem:s18+$0x1000];
	v14 =	vmul.f32 v14, v18;
	v18 =	vmul.f32 v47, v42;
	v23 =	vadd.f32 $2.542875770e+00, v48  }
0x6d: {  	v9 =	vmul.f32 v9, v7;
	v8 =	vadd.f32 v56, v8;
	v17 =	vadd.f32 $3.141584870e+00, v17  }
0x6e: {  	v15 =	vpsel p0, v40, v15;
	v51 =	vadd.f32 $-5.167248250e+00, v18;
	v52 =	vmul.f32 v23, v45  }
0x6f: {  	v49 =	vld [tilespmem:s16+$0x1000];
	v15 =	vmul.f32 v15, v21;
	v12 =	vxor.u32 v14, v12;
	v50 =	vmul.f32 v17, v20  }
0x70: {  	v11 =	vpsel p0, v11, v12;
	v53 =	vmul.f32 v51, v42;
	v54 =	vadd.f32 $-5.167248250e+00, v52  }
0x71: {  	v15 =	vadd.f32 v15, v22;
	v11 =	vmul.f32 v11, v46;
	v12 =	vxor.u32 v50, v16  }
0x72: {  	v10 =	vpsel p0, v10, v12;
	v55 =	vadd.f32 $3.141584870e+00, v53;
	v12 =	vmul.f32 v54, v45  }
0x73: {  	v57 =	vld [tilespmem:s17+$0x1000];
	v9 =	vadd.f32 v9, v6;
	v11 =	vadd.f32 v11, v15  }
0x74: {  	v10 =	vmul.f32 v10, v49;
	v58 =	vmul.f32 v55, v25;
	v12 =	vadd.f32 $3.141584870e+00, v12  }
0x75: {  	v60 =	vld [tilespmem:s19+$0x1000];
	v59 =	vshll.u32 v30, $0x1F;
	v61 =	vperm.xlane v8, v3;
	v7 =	vmul.f32 v28, v7  }
0x76: {  	v10 =	vadd.f32 v10, v11;
	v11 =	vxor.u32 v58, v59;
	v12 =	vmul.f32 v12, v13  }
0x77: {  	v6 =	vadd.f32 v7, v6;
	v7 =	vshll.u32 v31, $0x1F;
	v9 =	vpsel p0, v9, v11  }
0x78: {  	v9 =	vmul.f32 v9, v57;
	v7 =	vxor.u32 v12, v7  }
0x79: {  	v8 =	vadd.f32 v61, v8;
	v6 =	vpsel p0, v6, v7  }
0x7a: {  	v7 =	vadd.f32 v9, v10;
	v6 =	vmul.f32 v6, v60  }
0x7b: {  	v62 =	vperm.xlane v8, v4  }
0x7c: {  	v6 =	vadd.f32 v6, v7  }
0x7d: {  	v7 =	vadd.f32 v62, v8  }
0x7e: {  	v63 =	vperm.xlane v6, v2  }
0x7f: {  	v9 =	vperm.xlane v7, v5  }
0x80: {  	v6 =	vadd.f32 v63, v6  }
0x81: {  	v7 =	vadd.f32 v9, v7  }
0x82: {  	v8 =	vperm.xlane v6, v3  }
0x83: {  	v7 =	vadd.f32 $9.999999930e-09, v7  }
0x84: {  	v6 =	vadd.f32 v8, v6  }
0x85: {  	(erf) = vrcp.f32 v7  }
0x86: {  	v7 =	vperm.xlane v6, v4;
	_ =	sdelay $0x1  }
0x87: {  	v6 =	vadd.f32 v7, v6;
	_ =	sdelay $0x1  }
0x88: {  	v7 =	vperm.xlane v6, v5;
	_ =	sdelay $0x2  }
0x89: {  	v6 =	vadd.f32 v7, v6  }
0x8a: {  	v7 =	vpop (erf)  }
0x8b: {  	v6 =	vmul.f32 v7, v6;
	_ =	sdelay $0x1  }
0x8c: {  	v6 =	vadd.f32 v6, v6;
	_ =	sdelay $0x1  }
0x8d: {  	v6 =	vmul.f32 $1.442695020e+00, v6;
	_ =	sdelay $0x1  }
0x8e: {  	(erf) = vpow2.f32 v6;
	_ =	sdelay $0x8  }
0x8f: {  	v6 =	vpop (erf)  }
0x90: {  	v6 =	vadd.f32 $1.000000000e+00, v6;
	_ =	sdelay $0x1  }
0x91: {  	(erf) = vrcp.f32 v6;
	_ =	sdelay $0x8  }
0x92: {  	v6 =	vpop (erf)  }
0x93: {  	v6 =	vadd.f32 v6, v6;
	_ =	sdelay $0x1  }
0x94: {  	v6 =	vsub.f32 $1.000000000e+00, v6  }
0x95: {  	s15 =	sadd.s32 $0x1, s15  }
0x96: {  	p1 =	sne.s32 s15, s7;
	v6 =	vnsel vm0, $0x0, v6  }
.Ltmp2:
0x97: {  	[tilespmem:$0x2100] =	vst v6;
	(pc) =	sbr.rel @p1 .LBB2_1-.Ltmp2, $4  }
0x98: {  	[hbm4b:s6+s4] =	stream.linear.scatter [tilespmem:s13], [sflag:$0x2], $0x80, $0x38;
	[tilespmem:$0x2180] =	vst v63  }
0x99: {  	_ =	swait.ge [sflag:s14], $0x80  }
0x9a: {  	[sflag:s14] =	ssyncset.done $0x0  }
0x9b: {  	[sflag:s14] =	ssyncadd.s32 $0xFFFFFF80  }
0x9c: {  	_ =	sfence.sel $0x180000  }
0x9d: {  	[bflag:$0x0] =	sbarrier.arrive $0xFFFF  }
0x9e: {  	p0 =	sne.s32 s1, $0x0;
	_ =	strace $0x90000047  }
0x9f: {  	s0 =	sadd.s32 @!p0 $0x100000, s3;
	[bflag:$0x2] =	sbarrier.arrive $0xFFFF  }
0xa0: {  	[sflag:s0] =	ssyncadd.tile.s32 @!p0 $0x1;
	_ =	shalt  }
.Lfunc_end2:
_tile_overlayer_lowered:
.L_overlay_start_2:
0xa1: {  	(tag) =	ssettag $0x2  }
0xa2: {  	s0 =	rddreg [dreg:$0x0];
	s2 =	stileid.u32  }
0xa3: {  	s1 =	rddreg [dreg:$0x1];
	p0 =	sne.s32 s2, $0x0  }
0xa4: {  	s3 =	rddreg [dreg:$0x2];
	[bflag:$0x3] =	sbarrier.arrive $0xFFFF;
	s2 =	simm.s32 @!p0 $0x1C02  }
0xa5: {  	[timem:s3], [sflag:s2] =	dma.local @!p0 [hbm:s0], s1  }
0xa6: {  	s0 =	simm.s32 @!p0 $0x2  }
0xa7: {  	_ =	swait.ge @!p0 [sflag:s0], s1  }
0xa8: {  	s1 =	ssub.s32 @!p0 $0x0, s1;
	[sflag:s0] =	ssyncset.done @!p0 $0x0  }
0xa9: {  	[sflag:s0] =	ssyncadd.s32 @!p0 s1  }
0xaa: {  	[bflag:$0x3] =	sbarrier.arrive $0xFFFF  }
0xab: {  	_ =	shalt  }

</sc_bundles>
